<compile_context>
chip_gen: v7x
topology: tpu7x:2x2x1
jax: 0.10.2.dev20260603
libtpu: 0.0.44.dev20260713+nightly
codegen_flags: <defaults>
</compile_context>

<pallas_src>
import functools

import jax
import jax.numpy as jnp
from jax import lax
from jax.experimental import pallas as pl
from jax.experimental.pallas import tpu as pltpu
from jax.experimental.pallas import tpu_sc as plsc

_V = 100000
_E = 64
_O = 128
_B = 16384
_F = 26
_BF = _B * _F

_SPLITS = [(0, 14), (14, 12)]

_NC = 2
_NS = 16
_NW = _NC * _NS
_CH = 128

_NBB = 8192
_NBGRID = _B // _NBB

_sc_mesh = plsc.VectorSubcoreMesh(core_axis_name="c", subcore_axis_name="s")


def _make_sc_gather(f_lo, nf):
    fh = nf * _B
    fpw = fh // _NW
    nchunk = fpw // _CH
    nbuf = max(n for n in range(2, 8) if nchunk % n == 0)

    @functools.partial(
        pl.kernel,
        mesh=_sc_mesh,
        out_type=jax.ShapeDtypeStruct((fh, _O), jnp.float32),
        scratch_types=[
            pltpu.VMEM((fpw,), jnp.int32),
            pltpu.VMEM((nbuf, _CH, _O), jnp.float32),
            pltpu.SemaphoreType.DMA,
            pltpu.SemaphoreType.DMA,
        ],
        name=f"sc_gather_f{f_lo}",
    )
    def _sc_gather(tab_hbm, idx_hbm, e2_hbm, idx_v, rows_v, gsem, ssem):
        wid = lax.axis_index("s") * _NC + lax.axis_index("c")
        fbase = wid * fpw
        pltpu.sync_copy(idx_hbm.at[pl.ds(f_lo * _B + fbase, fpw)], idx_v)

        def outer(jo, carry):
            j0 = jo * nbuf
            gathers = []
            for bi in range(nbuf):
                ids = idx_v.at[pl.ds((j0 + bi) * _CH, _CH)]
                gathers.append(pltpu.async_copy(tab_hbm.at[ids], rows_v.at[bi], gsem))
            scatters = []
            for bi in range(nbuf):
                gathers[bi].wait()
                dst = e2_hbm.at[pl.ds(fbase + (j0 + bi) * _CH, _CH)]
                scatters.append(pltpu.async_copy(rows_v.at[bi], dst, ssem))
            for s in scatters:
                s.wait()
            return carry

        lax.fori_loop(0, nchunk // nbuf, outer, 0)

    return _sc_gather


_sc_gather_parts = [_make_sc_gather(f_lo, nf) for f_lo, nf in _SPLITS]


def _mm_body(e2_ref, w_ref, b_ref, out_ref):
    a = lax.dot_general(
        e2_ref[:].astype(jnp.bfloat16), w_ref[:],
        dimension_numbers=(((1,), (0,)), ((), ())),
        preferred_element_type=jnp.float32,
    )
    out_ref[:] = jnp.maximum(a + b_ref[0], 0.0).reshape(1, _NBB, _O)


def _tc_matmul(e2_h, W, b2d, f_lo, nf, prev=None):
    kwargs = {}
    operands = [e2_h, W, b2d]
    in_specs = [
        pl.BlockSpec((_NBB, _O), lambda f, i: (f * _NBGRID + i, 0)),
        pl.BlockSpec((_O, _O), lambda f, i: (0, 0)),
        pl.BlockSpec((1, _O), lambda f, i: (0, 0)),
    ]
    if prev is not None:
        operands.append(prev)
        kwargs["input_output_aliases"] = {3: 0}
        in_specs.append(pl.BlockSpec((1, 8, _O), lambda f, i: (0, 0, 0)))

    def body(*refs):
        _mm_body(refs[0], refs[1], refs[2], refs[-1])

    return pl.pallas_call(
        body,
        grid=(nf, _NBGRID),
        in_specs=in_specs,
        out_specs=pl.BlockSpec(
            (1, _NBB, _O), lambda f, i: (f + f_lo, i, 0)
        ),
        out_shape=jax.ShapeDtypeStruct((_F, _B, _O), jnp.float32),
        **kwargs,
    )(*operands)


def kernel(x, emb_table, W, b):
    idx = x.astype(jnp.int32).T.reshape(_BF)
    tab128 = jnp.pad(emb_table, ((0, 0), (0, _O - _E)))
    wbf = jnp.concatenate([W.T, jnp.zeros((_O - _E, _O), W.dtype)], axis=0)
    wbf = wbf.astype(jnp.bfloat16)
    b2d = b.reshape(1, _O)
    e2 = [g(tab128, idx) for g in _sc_gather_parts]
    out = _tc_matmul(e2[0], wbf, b2d, *_SPLITS[0])
    for h in range(1, len(_SPLITS)):
        out = _tc_matmul(e2[h], wbf, b2d, *_SPLITS[h], prev=out)
    return jnp.transpose(out, (1, 0, 2))

# --- scband reference (transcript-rebuilt; emitter-appended) ---
"""Pipeline reference for scband-dense-layer-58497454572061 (READ-ONLY COPY).

The authoritative reference and input builder live on the scoring server;
editing this copy changes nothing except your own understanding.
"""

import jax, jax.numpy as jnp
import numpy as np

NUM_EMB = 100000
EMB_DIM = 64
OUT_DIM = 128
B = 16384
F = 26


def setup_inputs(seed: int = 0) -> dict:
    key = jax.random.key(seed)
    k1, k2, k3, k4 = jax.random.split(key, 4)
    x = jax.random.randint(k1, (B, F), 0, NUM_EMB, dtype=jnp.int64)
    emb_table = jax.random.normal(k2, (NUM_EMB, EMB_DIM), dtype=jnp.float32)
    # torch nn.Linear: weight shape [out_dim, in_dim], bias [out_dim]
    W = jax.random.normal(k3, (OUT_DIM, EMB_DIM), dtype=jnp.float32) * (1.0 / np.sqrt(EMB_DIM))
    b = jax.random.normal(k4, (OUT_DIM,), dtype=jnp.float32) * 0.01
    return {"x": x, "emb_table": emb_table, "W": W, "b": b}


def reference(x, emb_table, W, b):
    # embedding lookup (gather)
    e = jnp.take(emb_table, x, axis=0)            # [B, F, EMB_DIM]
    # linear: x @ W^T + b
    out = jnp.einsum('bfe,oe->bfo', e, W) + b     # [B, F, OUT_DIM]
    # ReLU activation
    return jax.nn.relu(out)

if __name__ == "__main__":
    import jax
    _d = setup_inputs()
    print(jax.jit(kernel)(*tuple(_d.values())))

</pallas_src>

<mosaic_0001>
#map = affine_map<(d0, d1) -> (0, 0)>
#map1 = affine_map<(d0, d1) -> (0)>
module attributes {stable_mosaic.version = 14 : i64} {
  func.func @sc_gather_f0(%arg0: i32, %arg1: i32, %arg2: memref<100000x128xf32, #tpu.memory_space<hbm>>, %arg3: memref<425984xi32, #tpu.memory_space<hbm>>, %arg4: memref<229376x128xf32, #tpu.memory_space<hbm>>, %arg5: memref<7168xi32, #tpu.memory_space<vmem>>, %arg6: memref<7x128x128xf32, #tpu.memory_space<vmem>>, %arg7: memref<!tpu.dma_semaphore, #tpu.memory_space<semaphore_mem>>, %arg8: memref<!tpu.dma_semaphore, #tpu.memory_space<semaphore_mem>>) attributes {dimension_semantics = [#tpu.dimension_semantics<core_parallel>, #tpu.dimension_semantics<subcore_parallel>], iteration_bounds = array<i64: 2, 16>, scalar_prefetch = 0 : i64, scratch_operands = 4 : i64, tpu.core_type = #tpu.core_type<sc_vector_subcore>, window_params = [{transform_indices = #map}, {transform_indices = #map1}, {transform_indices = #map}]} {
    %mul3A = arith.constant 2 : i32
    %mul3A_0 = arith.muli %arg1, %mul3A : i32
    %add3A = arith.addi %mul3A_0, %arg0 : i32
    %mul3A_1 = arith.constant 7168 : i32
    %mul3A_2 = arith.muli %add3A, %mul3A_1 : i32
    %add3A_3 = arith.constant 0 : i32
    %add3A_4 = arith.addi %add3A_3, %mul3A_2 : i32
    "tpu.region"() ({
      %run_scoped3A = tpu.sem_alloc : memref<!tpu.dma_semaphore, #tpu.memory_space<semaphore_mem>>
      %dma_start3A = tpu.memref_slice %arg3[%add3A_4] : memref<425984xi32, #tpu.memory_space<hbm>> -> memref<7168xi32, #tpu.memory_space<hbm>>
      %dma_start3A_10 = tpu.memref_slice %arg3[%add3A_4] : memref<425984xi32, #tpu.memory_space<hbm>> -> memref<7168xi32, #tpu.memory_space<hbm>>
      tpu.enqueue_dma source(%dma_start3A_10 : memref<7168xi32, #tpu.memory_space<hbm>>) target(%arg5 : memref<7168xi32, #tpu.memory_space<vmem>>) target_semaphore(%run_scoped3A : memref<!tpu.dma_semaphore, #tpu.memory_space<semaphore_mem>>)
      %dma_wait3A = tpu.memref_slice %arg3[%add3A_4] : memref<425984xi32, #tpu.memory_space<hbm>> -> memref<7168xi32, #tpu.memory_space<hbm>>
      %dma_wait3A_11 = tpu.memref_slice %arg3[%add3A_4] : memref<425984xi32, #tpu.memory_space<hbm>> -> memref<7168xi32, #tpu.memory_space<hbm>>
      tpu.wait_dma2 semaphore(%run_scoped3A : memref<!tpu.dma_semaphore, #tpu.memory_space<semaphore_mem>>) src(%dma_wait3A_11 : memref<7168xi32, #tpu.memory_space<hbm>>) dst(%arg5 : memref<7168xi32, #tpu.memory_space<vmem>>)
      tpu.yield
    }) : () -> ()
    %scan3A = arith.constant 0 : i32
    %scan3A_5 = arith.constant 0 : i32
    %scan3A_6 = arith.constant 8 : i32
    %scan3A_7 = arith.addi %scan3A_5, %scan3A_6 : i32
    %scan3A_8 = arith.constant 1 : i32
    scf.for %scan3A_10 = %scan3A_5 to %scan3A_7 step %scan3A_8  : i32 {
      %mul3A_11 = arith.constant 7 : i32
      %mul3A_12 = arith.muli %scan3A_10, %mul3A_11 : i32
      %add3A_13 = arith.constant 0 : i32
      %add3A_14 = arith.addi %mul3A_12, %add3A_13 : i32
      %mul3A_15 = arith.constant 128 : i32
      %mul3A_16 = arith.muli %add3A_14, %mul3A_15 : i32
      %dma_start3A = arith.constant 0 : i32
      %dma_start3A_17 = arith.constant 0 : i32
      %dma_start3A_18 = arith.constant 0 : i32
      %dma_start3A_19 = tpu.memref_slice %arg6[%dma_start3A, %dma_start3A_17, %dma_start3A_18] : memref<7x128x128xf32, #tpu.memory_space<vmem>> -> memref<1x128x128xf32, #tpu.memory_space<vmem>>
      %dma_start3A_20 = tpu.memref_squeeze %dma_start3A_19 : memref<1x128x128xf32, #tpu.memory_space<vmem>> -> memref<128x128xf32, #tpu.memory_space<vmem>>
      %dma_start3A_21 = tpu.memref_slice %arg5[%mul3A_16] : memref<7168xi32, #tpu.memory_space<vmem>> -> memref<128xi32, #tpu.memory_space<vmem>>
      %dma_start3A_22 = arith.constant 0 : i32
      %dma_start3A_23 = arith.constant 0 : i32
      %dma_start3A_24 = tpu.memref_slice %arg2[%dma_start3A_22, %dma_start3A_23] : memref<100000x128xf32, #tpu.memory_space<hbm>> -> memref<100000x128xf32, #tpu.memory_space<hbm>>
      tpu.enqueue_indirect_dma source(%dma_start3A_24 : memref<100000x128xf32, #tpu.memory_space<hbm>>) target(%dma_start3A_20 : memref<128x128xf32, #tpu.memory_space<vmem>>) offsets(%dma_start3A_21 : memref<128xi32, #tpu.memory_space<vmem>>) semaphore(%arg7 : memref<!tpu.dma_semaphore, #tpu.memory_space<semaphore_mem>>)
      %add3A_25 = arith.constant 1 : i32
      %add3A_26 = arith.addi %mul3A_12, %add3A_25 : i32
      %mul3A_27 = arith.constant 128 : i32
      %mul3A_28 = arith.muli %add3A_26, %mul3A_27 : i32
      %dma_start3A_29 = arith.constant 1 : i32
      %dma_start3A_30 = arith.constant 0 : i32
      %dma_start3A_31 = arith.constant 0 : i32
      %dma_start3A_32 = tpu.memref_slice %arg6[%dma_start3A_29, %dma_start3A_30, %dma_start3A_31] : memref<7x128x128xf32, #tpu.memory_space<vmem>> -> memref<1x128x128xf32, #tpu.memory_space<vmem>>
      %dma_start3A_33 = tpu.memref_squeeze %dma_start3A_32 : memref<1x128x128xf32, #tpu.memory_space<vmem>> -> memref<128x128xf32, #tpu.memory_space<vmem>>
      %dma_start3A_34 = tpu.memref_slice %arg5[%mul3A_28] : memref<7168xi32, #tpu.memory_space<vmem>> -> memref<128xi32, #tpu.memory_space<vmem>>
      %dma_start3A_35 = arith.constant 0 : i32
      %dma_start3A_36 = arith.constant 0 : i32
      %dma_start3A_37 = tpu.memref_slice %arg2[%dma_start3A_35, %dma_start3A_36] : memref<100000x128xf32, #tpu.memory_space<hbm>> -> memref<100000x128xf32, #tpu.memory_space<hbm>>
      tpu.enqueue_indirect_dma source(%dma_start3A_37 : memref<100000x128xf32, #tpu.memory_space<hbm>>) target(%dma_start3A_33 : memref<128x128xf32, #tpu.memory_space<vmem>>) offsets(%dma_start3A_34 : memref<128xi32, #tpu.memory_space<vmem>>) semaphore(%arg7 : memref<!tpu.dma_semaphore, #tpu.memory_space<semaphore_mem>>)
      %add3A_38 = arith.constant 2 : i32
      %add3A_39 = arith.addi %mul3A_12, %add3A_38 : i32
      %mul3A_40 = arith.constant 128 : i32
      %mul3A_41 = arith.muli %add3A_39, %mul3A_40 : i32
      %dma_start3A_42 = arith.constant 2 : i32
      %dma_start3A_43 = arith.constant 0 : i32
      %dma_start3A_44 = arith.constant 0 : i32
      %dma_start3A_45 = tpu.memref_slice %arg6[%dma_start3A_42, %dma_start3A_43, %dma_start3A_44] : memref<7x128x128xf32, #tpu.memory_space<vmem>> -> memref<1x128x128xf32, #tpu.memory_space<vmem>>
      %dma_start3A_46 = tpu.memref_squeeze %dma_start3A_45 : memref<1x128x128xf32, #tpu.memory_space<vmem>> -> memref<128x128xf32, #tpu.memory_space<vmem>>
      %dma_start3A_47 = tpu.memref_slice %arg5[%mul3A_41] : memref<7168xi32, #tpu.memory_space<vmem>> -> memref<128xi32, #tpu.memory_space<vmem>>
      %dma_start3A_48 = arith.constant 0 : i32
      %dma_start3A_49 = arith.constant 0 : i32
      %dma_start3A_50 = tpu.memref_slice %arg2[%dma_start3A_48, %dma_start3A_49] : memref<100000x128xf32, #tpu.memory_space<hbm>> -> memref<100000x128xf32, #tpu.memory_space<hbm>>
      tpu.enqueue_indirect_dma source(%dma_start3A_50 : memref<100000x128xf32, #tpu.memory_space<hbm>>) target(%dma_start3A_46 : memref<128x128xf32, #tpu.memory_space<vmem>>) offsets(%dma_start3A_47 : memref<128xi32, #tpu.memory_space<vmem>>) semaphore(%arg7 : memref<!tpu.dma_semaphore, #tpu.memory_space<semaphore_mem>>)
      %add3A_51 = arith.constant 3 : i32
      %add3A_52 = arith.addi %mul3A_12, %add3A_51 : i32
      %mul3A_53 = arith.constant 128 : i32
      %mul3A_54 = arith.muli %add3A_52, %mul3A_53 : i32
      %dma_start3A_55 = arith.constant 3 : i32
      %dma_start3A_56 = arith.constant 0 : i32
      %dma_start3A_57 = arith.constant 0 : i32
      %dma_start3A_58 = tpu.memref_slice %arg6[%dma_start3A_55, %dma_start3A_56, %dma_start3A_57] : memref<7x128x128xf32, #tpu.memory_space<vmem>> -> memref<1x128x128xf32, #tpu.memory_space<vmem>>
      %dma_start3A_59 = tpu.memref_squeeze %dma_start3A_58 : memref<1x128x128xf32, #tpu.memory_space<vmem>> -> memref<128x128xf32, #tpu.memory_space<vmem>>
      %dma_start3A_60 = tpu.memref_slice %arg5[%mul3A_54] : memref<7168xi32, #tpu.memory_space<vmem>> -> memref<128xi32, #tpu.memory_space<vmem>>
      %dma_start3A_61 = arith.constant 0 : i32
      %dma_start3A_62 = arith.constant 0 : i32
      %dma_start3A_63 = tpu.memref_slice %arg2[%dma_start3A_61, %dma_start3A_62] : memref<100000x128xf32, #tpu.memory_space<hbm>> -> memref<100000x128xf32, #tpu.memory_space<hbm>>
      tpu.enqueue_indirect_dma source(%dma_start3A_63 : memref<100000x128xf32, #tpu.memory_space<hbm>>) target(%dma_start3A_59 : memref<128x128xf32, #tpu.memory_space<vmem>>) offsets(%dma_start3A_60 : memref<128xi32, #tpu.memory_space<vmem>>) semaphore(%arg7 : memref<!tpu.dma_semaphore, #tpu.memory_space<semaphore_mem>>)
      %add3A_64 = arith.constant 4 : i32
      %add3A_65 = arith.addi %mul3A_12, %add3A_64 : i32
      %mul3A_66 = arith.constant 128 : i32
      %mul3A_67 = arith.muli %add3A_65, %mul3A_66 : i32
      %dma_start3A_68 = arith.constant 4 : i32
      %dma_start3A_69 = arith.constant 0 : i32
      %dma_start3A_70 = arith.constant 0 : i32
      %dma_start3A_71 = tpu.memref_slice %arg6[%dma_start3A_68, %dma_start3A_69, %dma_start3A_70] : memref<7x128x128xf32, #tpu.memory_space<vmem>> -> memref<1x128x128xf32, #tpu.memory_space<vmem>>
      %dma_start3A_72 = tpu.memref_squeeze %dma_start3A_71 : memref<1x128x128xf32, #tpu.memory_space<vmem>> -> memref<128x128xf32, #tpu.memory_space<vmem>>
      %dma_start3A_73 = tpu.memref_slice %arg5[%mul3A_67] : memref<7168xi32, #tpu.memory_space<vmem>> -> memref<128xi32, #tpu.memory_space<vmem>>
      %dma_start3A_74 = arith.constant 0 : i32
      %dma_start3A_75 = arith.constant 0 : i32
      %dma_start3A_76 = tpu.memref_slice %arg2[%dma_start3A_74, %dma_start3A_75] : memref<100000x128xf32, #tpu.memory_space<hbm>> -> memref<100000x128xf32, #tpu.memory_space<hbm>>
      tpu.enqueue_indirect_dma source(%dma_start3A_76 : memref<100000x128xf32, #tpu.memory_space<hbm>>) target(%dma_start3A_72 : memref<128x128xf32, #tpu.memory_space<vmem>>) offsets(%dma_start3A_73 : memref<128xi32, #tpu.memory_space<vmem>>) semaphore(%arg7 : memref<!tpu.dma_semaphore, #tpu.memory_space<semaphore_mem>>)
      %add3A_77 = arith.constant 5 : i32
      %add3A_78 = arith.addi %mul3A_12, %add3A_77 : i32
      %mul3A_79 = arith.constant 128 : i32
      %mul3A_80 = arith.muli %add3A_78, %mul3A_79 : i32
      %dma_start3A_81 = arith.constant 5 : i32
      %dma_start3A_82 = arith.constant 0 : i32
      %dma_start3A_83 = arith.constant 0 : i32
      %dma_start3A_84 = tpu.memref_slice %arg6[%dma_start3A_81, %dma_start3A_82, %dma_start3A_83] : memref<7x128x128xf32, #tpu.memory_space<vmem>> -> memref<1x128x128xf32, #tpu.memory_space<vmem>>
      %dma_start3A_85 = tpu.memref_squeeze %dma_start3A_84 : memref<1x128x128xf32, #tpu.memory_space<vmem>> -> memref<128x128xf32, #tpu.memory_space<vmem>>
      %dma_start3A_86 = tpu.memref_slice %arg5[%mul3A_80] : memref<7168xi32, #tpu.memory_space<vmem>> -> memref<128xi32, #tpu.memory_space<vmem>>
      %dma_start3A_87 = arith.constant 0 : i32
      %dma_start3A_88 = arith.constant 0 : i32
      %dma_start3A_89 = tpu.memref_slice %arg2[%dma_start3A_87, %dma_start3A_88] : memref<100000x128xf32, #tpu.memory_space<hbm>> -> memref<100000x128xf32, #tpu.memory_space<hbm>>
      tpu.enqueue_indirect_dma source(%dma_start3A_89 : memref<100000x128xf32, #tpu.memory_space<hbm>>) target(%dma_start3A_85 : memref<128x128xf32, #tpu.memory_space<vmem>>) offsets(%dma_start3A_86 : memref<128xi32, #tpu.memory_space<vmem>>) semaphore(%arg7 : memref<!tpu.dma_semaphore, #tpu.memory_space<semaphore_mem>>)
      %add3A_90 = arith.constant 6 : i32
      %add3A_91 = arith.addi %mul3A_12, %add3A_90 : i32
      %mul3A_92 = arith.constant 128 : i32
      %mul3A_93 = arith.muli %add3A_91, %mul3A_92 : i32
      %dma_start3A_94 = arith.constant 6 : i32
      %dma_start3A_95 = arith.constant 0 : i32
      %dma_start3A_96 = arith.constant 0 : i32
      %dma_start3A_97 = tpu.memref_slice %arg6[%dma_start3A_94, %dma_start3A_95, %dma_start3A_96] : memref<7x128x128xf32, #tpu.memory_space<vmem>> -> memref<1x128x128xf32, #tpu.memory_space<vmem>>
      %dma_start3A_98 = tpu.memref_squeeze %dma_start3A_97 : memref<1x128x128xf32, #tpu.memory_space<vmem>> -> memref<128x128xf32, #tpu.memory_space<vmem>>
      %dma_start3A_99 = tpu.memref_slice %arg5[%mul3A_93] : memref<7168xi32, #tpu.memory_space<vmem>> -> memref<128xi32, #tpu.memory_space<vmem>>
      %dma_start3A_100 = arith.constant 0 : i32
      %dma_start3A_101 = arith.constant 0 : i32
      %dma_start3A_102 = tpu.memref_slice %arg2[%dma_start3A_100, %dma_start3A_101] : memref<100000x128xf32, #tpu.memory_space<hbm>> -> memref<100000x128xf32, #tpu.memory_space<hbm>>
      tpu.enqueue_indirect_dma source(%dma_start3A_102 : memref<100000x128xf32, #tpu.memory_space<hbm>>) target(%dma_start3A_98 : memref<128x128xf32, #tpu.memory_space<vmem>>) offsets(%dma_start3A_99 : memref<128xi32, #tpu.memory_space<vmem>>) semaphore(%arg7 : memref<!tpu.dma_semaphore, #tpu.memory_space<semaphore_mem>>)
      %dma_wait3A = arith.constant 0 : i32
      %dma_wait3A_103 = arith.constant 0 : i32
      %dma_wait3A_104 = arith.constant 0 : i32
      %dma_wait3A_105 = tpu.memref_slice %arg6[%dma_wait3A, %dma_wait3A_103, %dma_wait3A_104] : memref<7x128x128xf32, #tpu.memory_space<vmem>> -> memref<1x128x128xf32, #tpu.memory_space<vmem>>
      %dma_wait3A_106 = tpu.memref_squeeze %dma_wait3A_105 : memref<1x128x128xf32, #tpu.memory_space<vmem>> -> memref<128x128xf32, #tpu.memory_space<vmem>>
      %dma_wait3A_107 = tpu.memref_slice %arg5[%mul3A_16] : memref<7168xi32, #tpu.memory_space<vmem>> -> memref<128xi32, #tpu.memory_space<vmem>>
      %dma_wait3A_108 = arith.constant 0 : i32
      %dma_wait3A_109 = arith.constant 0 : i32
      %dma_wait3A_110 = tpu.memref_slice %arg2[%dma_wait3A_108, %dma_wait3A_109] : memref<100000x128xf32, #tpu.memory_space<hbm>> -> memref<100000x128xf32, #tpu.memory_space<hbm>>
      tpu.wait_indirect_dma semaphore(%arg7 : memref<!tpu.dma_semaphore, #tpu.memory_space<semaphore_mem>>) src(%dma_wait3A_110 : memref<100000x128xf32, #tpu.memory_space<hbm>>) dst(%dma_wait3A_106 : memref<128x128xf32, #tpu.memory_space<vmem>>)
      %add3A_111 = arith.constant 0 : i32
      %add3A_112 = arith.addi %mul3A_12, %add3A_111 : i32
      %mul3A_113 = arith.constant 128 : i32
      %mul3A_114 = arith.muli %add3A_112, %mul3A_113 : i32
      %add3A_115 = arith.addi %mul3A_2, %mul3A_114 : i32
      %dma_start3A_116 = arith.constant 0 : i32
      %dma_start3A_117 = arith.constant 0 : i32
      %dma_start3A_118 = arith.constant 0 : i32
      %dma_start3A_119 = tpu.memref_slice %arg6[%dma_start3A_116, %dma_start3A_117, %dma_start3A_118] : memref<7x128x128xf32, #tpu.memory_space<vmem>> -> memref<1x128x128xf32, #tpu.memory_space<vmem>>
      %dma_start3A_120 = tpu.memref_squeeze %dma_start3A_119 : memref<1x128x128xf32, #tpu.memory_space<vmem>> -> memref<128x128xf32, #tpu.memory_space<vmem>>
      %dma_start3A_121 = arith.constant 0 : i32
      %dma_start3A_122 = tpu.memref_slice %arg4[%add3A_115, %dma_start3A_121] : memref<229376x128xf32, #tpu.memory_space<hbm>> -> memref<128x128xf32, #tpu.memory_space<hbm>>
      %dma_start3A_123 = arith.constant 0 : i32
      %dma_start3A_124 = tpu.memref_slice %arg4[%add3A_115, %dma_start3A_123] : memref<229376x128xf32, #tpu.memory_space<hbm>> -> memref<128x128xf32, #tpu.memory_space<hbm>>
      %dma_start3A_125 = arith.constant 0 : i32
      %dma_start3A_126 = arith.constant 0 : i32
      %dma_start3A_127 = tpu.memref_slice %arg6[%dma_start3A_116, %dma_start3A_125, %dma_start3A_126] : memref<7x128x128xf32, #tpu.memory_space<vmem>> -> memref<1x128x128xf32, #tpu.memory_space<vmem>>
      %dma_start3A_128 = tpu.memref_squeeze %dma_start3A_127 : memref<1x128x128xf32, #tpu.memory_space<vmem>> -> memref<128x128xf32, #tpu.memory_space<vmem>>
      tpu.enqueue_dma source(%dma_start3A_128 : memref<128x128xf32, #tpu.memory_space<vmem>>) target(%dma_start3A_124 : memref<128x128xf32, #tpu.memory_space<hbm>>) target_semaphore(%arg8 : memref<!tpu.dma_semaphore, #tpu.memory_space<semaphore_mem>>)
      %dma_wait3A_129 = arith.constant 1 : i32
      %dma_wait3A_130 = arith.constant 0 : i32
      %dma_wait3A_131 = arith.constant 0 : i32
      %dma_wait3A_132 = tpu.memref_slice %arg6[%dma_wait3A_129, %dma_wait3A_130, %dma_wait3A_131] : memref<7x128x128xf32, #tpu.memory_space<vmem>> -> memref<1x128x128xf32, #tpu.memory_space<vmem>>
      %dma_wait3A_133 = tpu.memref_squeeze %dma_wait3A_132 : memref<1x128x128xf32, #tpu.memory_space<vmem>> -> memref<128x128xf32, #tpu.memory_space<vmem>>
      %dma_wait3A_134 = tpu.memref_slice %arg5[%mul3A_28] : memref<7168xi32, #tpu.memory_space<vmem>> -> memref<128xi32, #tpu.memory_space<vmem>>
      %dma_wait3A_135 = arith.constant 0 : i32
      %dma_wait3A_136 = arith.constant 0 : i32
      %dma_wait3A_137 = tpu.memref_slice %arg2[%dma_wait3A_135, %dma_wait3A_136] : memref<100000x128xf32, #tpu.memory_space<hbm>> -> memref<100000x128xf32, #tpu.memory_space<hbm>>
      tpu.wait_indirect_dma semaphore(%arg7 : memref<!tpu.dma_semaphore, #tpu.memory_space<semaphore_mem>>) src(%dma_wait3A_137 : memref<100000x128xf32, #tpu.memory_space<hbm>>) dst(%dma_wait3A_133 : memref<128x128xf32, #tpu.memory_space<vmem>>)
      %add3A_138 = arith.constant 1 : i32
      %add3A_139 = arith.addi %mul3A_12, %add3A_138 : i32
      %mul3A_140 = arith.constant 128 : i32
      %mul3A_141 = arith.muli %add3A_139, %mul3A_140 : i32
      %add3A_142 = arith.addi %mul3A_2, %mul3A_141 : i32
      %dma_start3A_143 = arith.constant 1 : i32
      %dma_start3A_144 = arith.constant 0 : i32
      %dma_start3A_145 = arith.constant 0 : i32
      %dma_start3A_146 = tpu.memref_slice %arg6[%dma_start3A_143, %dma_start3A_144, %dma_start3A_145] : memref<7x128x128xf32, #tpu.memory_space<vmem>> -> memref<1x128x128xf32, #tpu.memory_space<vmem>>
      %dma_start3A_147 = tpu.memref_squeeze %dma_start3A_146 : memref<1x128x128xf32, #tpu.memory_space<vmem>> -> memref<128x128xf32, #tpu.memory_space<vmem>>
      %dma_start3A_148 = arith.constant 0 : i32
      %dma_start3A_149 = tpu.memref_slice %arg4[%add3A_142, %dma_start3A_148] : memref<229376x128xf32, #tpu.memory_space<hbm>> -> memref<128x128xf32, #tpu.memory_space<hbm>>
      %dma_start3A_150 = arith.constant 0 : i32
      %dma_start3A_151 = tpu.memref_slice %arg4[%add3A_142, %dma_start3A_150] : memref<229376x128xf32, #tpu.memory_space<hbm>> -> memref<128x128xf32, #tpu.memory_space<hbm>>
      %dma_start3A_152 = arith.constant 0 : i32
      %dma_start3A_153 = arith.constant 0 : i32
      %dma_start3A_154 = tpu.memref_slice %arg6[%dma_start3A_143, %dma_start3A_152, %dma_start3A_153] : memref<7x128x128xf32, #tpu.memory_space<vmem>> -> memref<1x128x128xf32, #tpu.memory_space<vmem>>
      %dma_start3A_155 = tpu.memref_squeeze %dma_start3A_154 : memref<1x128x128xf32, #tpu.memory_space<vmem>> -> memref<128x128xf32, #tpu.memory_space<vmem>>
      tpu.enqueue_dma source(%dma_start3A_155 : memref<128x128xf32, #tpu.memory_space<vmem>>) target(%dma_start3A_151 : memref<128x128xf32, #tpu.memory_space<hbm>>) target_semaphore(%arg8 : memref<!tpu.dma_semaphore, #tpu.memory_space<semaphore_mem>>)
      %dma_wait3A_156 = arith.constant 2 : i32
      %dma_wait3A_157 = arith.constant 0 : i32
      %dma_wait3A_158 = arith.constant 0 : i32
      %dma_wait3A_159 = tpu.memref_slice %arg6[%dma_wait3A_156, %dma_wait3A_157, %dma_wait3A_158] : memref<7x128x128xf32, #tpu.memory_space<vmem>> -> memref<1x128x128xf32, #tpu.memory_space<vmem>>
      %dma_wait3A_160 = tpu.memref_squeeze %dma_wait3A_159 : memref<1x128x128xf32, #tpu.memory_space<vmem>> -> memref<128x128xf32, #tpu.memory_space<vmem>>
      %dma_wait3A_161 = tpu.memref_slice %arg5[%mul3A_41] : memref<7168xi32, #tpu.memory_space<vmem>> -> memref<128xi32, #tpu.memory_space<vmem>>
      %dma_wait3A_162 = arith.constant 0 : i32
      %dma_wait3A_163 = arith.constant 0 : i32
      %dma_wait3A_164 = tpu.memref_slice %arg2[%dma_wait3A_162, %dma_wait3A_163] : memref<100000x128xf32, #tpu.memory_space<hbm>> -> memref<100000x128xf32, #tpu.memory_space<hbm>>
      tpu.wait_indirect_dma semaphore(%arg7 : memref<!tpu.dma_semaphore, #tpu.memory_space<semaphore_mem>>) src(%dma_wait3A_164 : memref<100000x128xf32, #tpu.memory_space<hbm>>) dst(%dma_wait3A_160 : memref<128x128xf32, #tpu.memory_space<vmem>>)
      %add3A_165 = arith.constant 2 : i32
      %add3A_166 = arith.addi %mul3A_12, %add3A_165 : i32
      %mul3A_167 = arith.constant 128 : i32
      %mul3A_168 = arith.muli %add3A_166, %mul3A_167 : i32
      %add3A_169 = arith.addi %mul3A_2, %mul3A_168 : i32
      %dma_start3A_170 = arith.constant 2 : i32
      %dma_start3A_171 = arith.constant 0 : i32
      %dma_start3A_172 = arith.constant 0 : i32
      %dma_start3A_173 = tpu.memref_slice %arg6[%dma_start3A_170, %dma_start3A_171, %dma_start3A_172] : memref<7x128x128xf32, #tpu.memory_space<vmem>> -> memref<1x128x128xf32, #tpu.memory_space<vmem>>
      %dma_start3A_174 = tpu.memref_squeeze %dma_start3A_173 : memref<1x128x128xf32, #tpu.memory_space<vmem>> -> memref<128x128xf32, #tpu.memory_space<vmem>>
      %dma_start3A_175 = arith.constant 0 : i32
      %dma_start3A_176 = tpu.memref_slice %arg4[%add3A_169, %dma_start3A_175] : memref<229376x128xf32, #tpu.memory_space<hbm>> -> memref<128x128xf32, #tpu.memory_space<hbm>>
      %dma_start3A_177 = arith.constant 0 : i32
      %dma_start3A_178 = tpu.memref_slice %arg4[%add3A_169, %dma_start3A_177] : memref<229376x128xf32, #tpu.memory_space<hbm>> -> memref<128x128xf32, #tpu.memory_space<hbm>>
      %dma_start3A_179 = arith.constant 0 : i32
      %dma_start3A_180 = arith.constant 0 : i32
      %dma_start3A_181 = tpu.memref_slice %arg6[%dma_start3A_170, %dma_start3A_179, %dma_start3A_180] : memref<7x128x128xf32, #tpu.memory_space<vmem>> -> memref<1x128x128xf32, #tpu.memory_space<vmem>>
      %dma_start3A_182 = tpu.memref_squeeze %dma_start3A_181 : memref<1x128x128xf32, #tpu.memory_space<vmem>> -> memref<128x128xf32, #tpu.memory_space<vmem>>
      tpu.enqueue_dma source(%dma_start3A_182 : memref<128x128xf32, #tpu.memory_space<vmem>>) target(%dma_start3A_178 : memref<128x128xf32, #tpu.memory_space<hbm>>) target_semaphore(%arg8 : memref<!tpu.dma_semaphore, #tpu.memory_space<semaphore_mem>>)
      %dma_wait3A_183 = arith.constant 3 : i32
      %dma_wait3A_184 = arith.constant 0 : i32
      %dma_wait3A_185 = arith.constant 0 : i32
      %dma_wait3A_186 = tpu.memref_slice %arg6[%dma_wait3A_183, %dma_wait3A_184, %dma_wait3A_185] : memref<7x128x128xf32, #tpu.memory_space<vmem>> -> memref<1x128x128xf32, #tpu.memory_space<vmem>>
      %dma_wait3A_187 = tpu.memref_squeeze %dma_wait3A_186 : memref<1x128x128xf32, #tpu.memory_space<vmem>> -> memref<128x128xf32, #tpu.memory_space<vmem>>
      %dma_wait3A_188 = tpu.memref_slice %arg5[%mul3A_54] : memref<7168xi32, #tpu.memory_space<vmem>> -> memref<128xi32, #tpu.memory_space<vmem>>
      %dma_wait3A_189 = arith.constant 0 : i32
      %dma_wait3A_190 = arith.constant 0 : i32
      %dma_wait3A_191 = tpu.memref_slice %arg2[%dma_wait3A_189, %dma_wait3A_190] : memref<100000x128xf32, #tpu.memory_space<hbm>> -> memref<100000x128xf32, #tpu.memory_space<hbm>>
      tpu.wait_indirect_dma semaphore(%arg7 : memref<!tpu.dma_semaphore, #tpu.memory_space<semaphore_mem>>) src(%dma_wait3A_191 : memref<100000x128xf32, #tpu.memory_space<hbm>>) dst(%dma_wait3A_187 : memref<128x128xf32, #tpu.memory_space<vmem>>)
      %add3A_192 = arith.constant 3 : i32
      %add3A_193 = arith.addi %mul3A_12, %add3A_192 : i32
      %mul3A_194 = arith.constant 128 : i32
      %mul3A_195 = arith.muli %add3A_193, %mul3A_194 : i32
      %add3A_196 = arith.addi %mul3A_2, %mul3A_195 : i32
      %dma_start3A_197 = arith.constant 3 : i32
      %dma_start3A_198 = arith.constant 0 : i32
      %dma_start3A_199 = arith.constant 0 : i32
      %dma_start3A_200 = tpu.memref_slice %arg6[%dma_start3A_197, %dma_start3A_198, %dma_start3A_199] : memref<7x128x128xf32, #tpu.memory_space<vmem>> -> memref<1x128x128xf32, #tpu.memory_space<vmem>>
      %dma_start3A_201 = tpu.memref_squeeze %dma_start3A_200 : memref<1x128x128xf32, #tpu.memory_space<vmem>> -> memref<128x128xf32, #tpu.memory_space<vmem>>
      %dma_start3A_202 = arith.constant 0 : i32
      %dma_start3A_203 = tpu.memref_slice %arg4[%add3A_196, %dma_start3A_202] : memref<229376x128xf32, #tpu.memory_space<hbm>> -> memref<128x128xf32, #tpu.memory_space<hbm>>
      %dma_start3A_204 = arith.constant 0 : i32
      %dma_start3A_205 = tpu.memref_slice %arg4[%add3A_196, %dma_start3A_204] : memref<229376x128xf32, #tpu.memory_space<hbm>> -> memref<128x128xf32, #tpu.memory_space<hbm>>
      %dma_start3A_206 = arith.constant 0 : i32
      %dma_start3A_207 = arith.constant 0 : i32
      %dma_start3A_208 = tpu.memref_slice %arg6[%dma_start3A_197, %dma_start3A_206, %dma_start3A_207] : memref<7x128x128xf32, #tpu.memory_space<vmem>> -> memref<1x128x128xf32, #tpu.memory_space<vmem>>
      %dma_start3A_209 = tpu.memref_squeeze %dma_start3A_208 : memref<1x128x128xf32, #tpu.memory_space<vmem>> -> memref<128x128xf32, #tpu.memory_space<vmem>>
      tpu.enqueue_dma source(%dma_start3A_209 : memref<128x128xf32, #tpu.memory_space<vmem>>) target(%dma_start3A_205 : memref<128x128xf32, #tpu.memory_space<hbm>>) target_semaphore(%arg8 : memref<!tpu.dma_semaphore, #tpu.memory_space<semaphore_mem>>)
      %dma_wait3A_210 = arith.constant 4 : i32
      %dma_wait3A_211 = arith.constant 0 : i32
      %dma_wait3A_212 = arith.constant 0 : i32
      %dma_wait3A_213 = tpu.memref_slice %arg6[%dma_wait3A_210, %dma_wait3A_211, %dma_wait3A_212] : memref<7x128x128xf32, #tpu.memory_space<vmem>> -> memref<1x128x128xf32, #tpu.memory_space<vmem>>
      %dma_wait3A_214 = tpu.memref_squeeze %dma_wait3A_213 : memref<1x128x128xf32, #tpu.memory_space<vmem>> -> memref<128x128xf32, #tpu.memory_space<vmem>>
      %dma_wait3A_215 = tpu.memref_slice %arg5[%mul3A_67] : memref<7168xi32, #tpu.memory_space<vmem>> -> memref<128xi32, #tpu.memory_space<vmem>>
      %dma_wait3A_216 = arith.constant 0 : i32
      %dma_wait3A_217 = arith.constant 0 : i32
      %dma_wait3A_218 = tpu.memref_slice %arg2[%dma_wait3A_216, %dma_wait3A_217] : memref<100000x128xf32, #tpu.memory_space<hbm>> -> memref<100000x128xf32, #tpu.memory_space<hbm>>
      tpu.wait_indirect_dma semaphore(%arg7 : memref<!tpu.dma_semaphore, #tpu.memory_space<semaphore_mem>>) src(%dma_wait3A_218 : memref<100000x128xf32, #tpu.memory_space<hbm>>) dst(%dma_wait3A_214 : memref<128x128xf32, #tpu.memory_space<vmem>>)
      %add3A_219 = arith.constant 4 : i32
      %add3A_220 = arith.addi %mul3A_12, %add3A_219 : i32
      %mul3A_221 = arith.constant 128 : i32
      %mul3A_222 = arith.muli %add3A_220, %mul3A_221 : i32
      %add3A_223 = arith.addi %mul3A_2, %mul3A_222 : i32
      %dma_start3A_224 = arith.constant 4 : i32
      %dma_start3A_225 = arith.constant 0 : i32
      %dma_start3A_226 = arith.constant 0 : i32
      %dma_start3A_227 = tpu.memref_slice %arg6[%dma_start3A_224, %dma_start3A_225, %dma_start3A_226] : memref<7x128x128xf32, #tpu.memory_space<vmem>> -> memref<1x128x128xf32, #tpu.memory_space<vmem>>
      %dma_start3A_228 = tpu.memref_squeeze %dma_start3A_227 : memref<1x128x128xf32, #tpu.memory_space<vmem>> -> memref<128x128xf32, #tpu.memory_space<vmem>>
      %dma_start3A_229 = arith.constant 0 : i32
      %dma_start3A_230 = tpu.memref_slice %arg4[%add3A_223, %dma_start3A_229] : memref<229376x128xf32, #tpu.memory_space<hbm>> -> memref<128x128xf32, #tpu.memory_space<hbm>>
      %dma_start3A_231 = arith.constant 0 : i32
      %dma_start3A_232 = tpu.memref_slice %arg4[%add3A_223, %dma_start3A_231] : memref<229376x128xf32, #tpu.memory_space<hbm>> -> memref<128x128xf32, #tpu.memory_space<hbm>>
      %dma_start3A_233 = arith.constant 0 : i32
      %dma_start3A_234 = arith.constant 0 : i32
      %dma_start3A_235 = tpu.memref_slice %arg6[%dma_start3A_224, %dma_start3A_233, %dma_start3A_234] : memref<7x128x128xf32, #tpu.memory_space<vmem>> -> memref<1x128x128xf32, #tpu.memory_space<vmem>>
      %dma_start3A_236 = tpu.memref_squeeze %dma_start3A_235 : memref<1x128x128xf32, #tpu.memory_space<vmem>> -> memref<128x128xf32, #tpu.memory_space<vmem>>
      tpu.enqueue_dma source(%dma_start3A_236 : memref<128x128xf32, #tpu.memory_space<vmem>>) target(%dma_start3A_232 : memref<128x128xf32, #tpu.memory_space<hbm>>) target_semaphore(%arg8 : memref<!tpu.dma_semaphore, #tpu.memory_space<semaphore_mem>>)
      %dma_wait3A_237 = arith.constant 5 : i32
      %dma_wait3A_238 = arith.constant 0 : i32
      %dma_wait3A_239 = arith.constant 0 : i32
      %dma_wait3A_240 = tpu.memref_slice %arg6[%dma_wait3A_237, %dma_wait3A_238, %dma_wait3A_239] : memref<7x128x128xf32, #tpu.memory_space<vmem>> -> memref<1x128x128xf32, #tpu.memory_space<vmem>>
      %dma_wait3A_241 = tpu.memref_squeeze %dma_wait3A_240 : memref<1x128x128xf32, #tpu.memory_space<vmem>> -> memref<128x128xf32, #tpu.memory_space<vmem>>
      %dma_wait3A_242 = tpu.memref_slice %arg5[%mul3A_80] : memref<7168xi32, #tpu.memory_space<vmem>> -> memref<128xi32, #tpu.memory_space<vmem>>
      %dma_wait3A_243 = arith.constant 0 : i32
      %dma_wait3A_244 = arith.constant 0 : i32
      %dma_wait3A_245 = tpu.memref_slice %arg2[%dma_wait3A_243, %dma_wait3A_244] : memref<100000x128xf32, #tpu.memory_space<hbm>> -> memref<100000x128xf32, #tpu.memory_space<hbm>>
      tpu.wait_indirect_dma semaphore(%arg7 : memref<!tpu.dma_semaphore, #tpu.memory_space<semaphore_mem>>) src(%dma_wait3A_245 : memref<100000x128xf32, #tpu.memory_space<hbm>>) dst(%dma_wait3A_241 : memref<128x128xf32, #tpu.memory_space<vmem>>)
      %add3A_246 = arith.constant 5 : i32
      %add3A_247 = arith.addi %mul3A_12, %add3A_246 : i32
      %mul3A_248 = arith.constant 128 : i32
      %mul3A_249 = arith.muli %add3A_247, %mul3A_248 : i32
      %add3A_250 = arith.addi %mul3A_2, %mul3A_249 : i32
      %dma_start3A_251 = arith.constant 5 : i32
      %dma_start3A_252 = arith.constant 0 : i32
      %dma_start3A_253 = arith.constant 0 : i32
      %dma_start3A_254 = tpu.memref_slice %arg6[%dma_start3A_251, %dma_start3A_252, %dma_start3A_253] : memref<7x128x128xf32, #tpu.memory_space<vmem>> -> memref<1x128x128xf32, #tpu.memory_space<vmem>>
      %dma_start3A_255 = tpu.memref_squeeze %dma_start3A_254 : memref<1x128x128xf32, #tpu.memory_space<vmem>> -> memref<128x128xf32, #tpu.memory_space<vmem>>
      %dma_start3A_256 = arith.constant 0 : i32
      %dma_start3A_257 = tpu.memref_slice %arg4[%add3A_250, %dma_start3A_256] : memref<229376x128xf32, #tpu.memory_space<hbm>> -> memref<128x128xf32, #tpu.memory_space<hbm>>
      %dma_start3A_258 = arith.constant 0 : i32
      %dma_start3A_259 = tpu.memref_slice %arg4[%add3A_250, %dma_start3A_258] : memref<229376x128xf32, #tpu.memory_space<hbm>> -> memref<128x128xf32, #tpu.memory_space<hbm>>
      %dma_start3A_260 = arith.constant 0 : i32
      %dma_start3A_261 = arith.constant 0 : i32
      %dma_start3A_262 = tpu.memref_slice %arg6[%dma_start3A_251, %dma_start3A_260, %dma_start3A_261] : memref<7x128x128xf32, #tpu.memory_space<vmem>> -> memref<1x128x128xf32, #tpu.memory_space<vmem>>
      %dma_start3A_263 = tpu.memref_squeeze %dma_start3A_262 : memref<1x128x128xf32, #tpu.memory_space<vmem>> -> memref<128x128xf32, #tpu.memory_space<vmem>>
      tpu.enqueue_dma source(%dma_start3A_263 : memref<128x128xf32, #tpu.memory_space<vmem>>) target(%dma_start3A_259 : memref<128x128xf32, #tpu.memory_space<hbm>>) target_semaphore(%arg8 : memref<!tpu.dma_semaphore, #tpu.memory_space<semaphore_mem>>)
      %dma_wait3A_264 = arith.constant 6 : i32
      %dma_wait3A_265 = arith.constant 0 : i32
      %dma_wait3A_266 = arith.constant 0 : i32
      %dma_wait3A_267 = tpu.memref_slice %arg6[%dma_wait3A_264, %dma_wait3A_265, %dma_wait3A_266] : memref<7x128x128xf32, #tpu.memory_space<vmem>> -> memref<1x128x128xf32, #tpu.memory_space<vmem>>
      %dma_wait3A_268 = tpu.memref_squeeze %dma_wait3A_267 : memref<1x128x128xf32, #tpu.memory_space<vmem>> -> memref<128x128xf32, #tpu.memory_space<vmem>>
      %dma_wait3A_269 = tpu.memref_slice %arg5[%mul3A_93] : memref<7168xi32, #tpu.memory_space<vmem>> -> memref<128xi32, #tpu.memory_space<vmem>>
      %dma_wait3A_270 = arith.constant 0 : i32
      %dma_wait3A_271 = arith.constant 0 : i32
      %dma_wait3A_272 = tpu.memref_slice %arg2[%dma_wait3A_270, %dma_wait3A_271] : memref<100000x128xf32, #tpu.memory_space<hbm>> -> memref<100000x128xf32, #tpu.memory_space<hbm>>
      tpu.wait_indirect_dma semaphore(%arg7 : memref<!tpu.dma_semaphore, #tpu.memory_space<semaphore_mem>>) src(%dma_wait3A_272 : memref<100000x128xf32, #tpu.memory_space<hbm>>) dst(%dma_wait3A_268 : memref<128x128xf32, #tpu.memory_space<vmem>>)
      %add3A_273 = arith.constant 6 : i32
      %add3A_274 = arith.addi %mul3A_12, %add3A_273 : i32
      %mul3A_275 = arith.constant 128 : i32
      %mul3A_276 = arith.muli %add3A_274, %mul3A_275 : i32
      %add3A_277 = arith.addi %mul3A_2, %mul3A_276 : i32
      %dma_start3A_278 = arith.constant 6 : i32
      %dma_start3A_279 = arith.constant 0 : i32
      %dma_start3A_280 = arith.constant 0 : i32
      %dma_start3A_281 = tpu.memref_slice %arg6[%dma_start3A_278, %dma_start3A_279, %dma_start3A_280] : memref<7x128x128xf32, #tpu.memory_space<vmem>> -> memref<1x128x128xf32, #tpu.memory_space<vmem>>
      %dma_start3A_282 = tpu.memref_squeeze %dma_start3A_281 : memref<1x128x128xf32, #tpu.memory_space<vmem>> -> memref<128x128xf32, #tpu.memory_space<vmem>>
      %dma_start3A_283 = arith.constant 0 : i32
      %dma_start3A_284 = tpu.memref_slice %arg4[%add3A_277, %dma_start3A_283] : memref<229376x128xf32, #tpu.memory_space<hbm>> -> memref<128x128xf32, #tpu.memory_space<hbm>>
      %dma_start3A_285 = arith.constant 0 : i32
      %dma_start3A_286 = tpu.memref_slice %arg4[%add3A_277, %dma_start3A_285] : memref<229376x128xf32, #tpu.memory_space<hbm>> -> memref<128x128xf32, #tpu.memory_space<hbm>>
      %dma_start3A_287 = arith.constant 0 : i32
      %dma_start3A_288 = arith.constant 0 : i32
      %dma_start3A_289 = tpu.memref_slice %arg6[%dma_start3A_278, %dma_start3A_287, %dma_start3A_288] : memref<7x128x128xf32, #tpu.memory_space<vmem>> -> memref<1x128x128xf32, #tpu.memory_space<vmem>>
      %dma_start3A_290 = tpu.memref_squeeze %dma_start3A_289 : memref<1x128x128xf32, #tpu.memory_space<vmem>> -> memref<128x128xf32, #tpu.memory_space<vmem>>
      tpu.enqueue_dma source(%dma_start3A_290 : memref<128x128xf32, #tpu.memory_space<vmem>>) target(%dma_start3A_286 : memref<128x128xf32, #tpu.memory_space<hbm>>) target_semaphore(%arg8 : memref<!tpu.dma_semaphore, #tpu.memory_space<semaphore_mem>>)
      %dma_wait3A_291 = arith.constant 0 : i32
      %dma_wait3A_292 = arith.constant 0 : i32
      %dma_wait3A_293 = arith.constant 0 : i32
      %dma_wait3A_294 = tpu.memref_slice %arg6[%dma_wait3A_291, %dma_wait3A_292, %dma_wait3A_293] : memref<7x128x128xf32, #tpu.memory_space<vmem>> -> memref<1x128x128xf32, #tpu.memory_space<vmem>>
      %dma_wait3A_295 = tpu.memref_squeeze %dma_wait3A_294 : memref<1x128x128xf32, #tpu.memory_space<vmem>> -> memref<128x128xf32, #tpu.memory_space<vmem>>
      %dma_wait3A_296 = arith.constant 0 : i32
      %dma_wait3A_297 = tpu.memref_slice %arg4[%add3A_115, %dma_wait3A_296] : memref<229376x128xf32, #tpu.memory_space<hbm>> -> memref<128x128xf32, #tpu.memory_space<hbm>>
      %dma_wait3A_298 = arith.constant 0 : i32
      %dma_wait3A_299 = tpu.memref_slice %arg4[%add3A_115, %dma_wait3A_298] : memref<229376x128xf32, #tpu.memory_space<hbm>> -> memref<128x128xf32, #tpu.memory_space<hbm>>
      %dma_wait3A_300 = arith.constant 0 : i32
      %dma_wait3A_301 = arith.constant 0 : i32
      %dma_wait3A_302 = tpu.memref_slice %arg6[%dma_wait3A_291, %dma_wait3A_300, %dma_wait3A_301] : memref<7x128x128xf32, #tpu.memory_space<vmem>> -> memref<1x128x128xf32, #tpu.memory_space<vmem>>
      %dma_wait3A_303 = tpu.memref_squeeze %dma_wait3A_302 : memref<1x128x128xf32, #tpu.memory_space<vmem>> -> memref<128x128xf32, #tpu.memory_space<vmem>>
      tpu.wait_dma2 semaphore(%arg8 : memref<!tpu.dma_semaphore, #tpu.memory_space<semaphore_mem>>) src(%dma_wait3A_303 : memref<128x128xf32, #tpu.memory_space<vmem>>) dst(%dma_wait3A_299 : memref<128x128xf32, #tpu.memory_space<hbm>>)
      %dma_wait3A_304 = arith.constant 1 : i32
      %dma_wait3A_305 = arith.constant 0 : i32
      %dma_wait3A_306 = arith.constant 0 : i32
      %dma_wait3A_307 = tpu.memref_slice %arg6[%dma_wait3A_304, %dma_wait3A_305, %dma_wait3A_306] : memref<7x128x128xf32, #tpu.memory_space<vmem>> -> memref<1x128x128xf32, #tpu.memory_space<vmem>>
      %dma_wait3A_308 = tpu.memref_squeeze %dma_wait3A_307 : memref<1x128x128xf32, #tpu.memory_space<vmem>> -> memref<128x128xf32, #tpu.memory_space<vmem>>
      %dma_wait3A_309 = arith.constant 0 : i32
      %dma_wait3A_310 = tpu.memref_slice %arg4[%add3A_142, %dma_wait3A_309] : memref<229376x128xf32, #tpu.memory_space<hbm>> -> memref<128x128xf32, #tpu.memory_space<hbm>>
      %dma_wait3A_311 = arith.constant 0 : i32
      %dma_wait3A_312 = tpu.memref_slice %arg4[%add3A_142, %dma_wait3A_311] : memref<229376x128xf32, #tpu.memory_space<hbm>> -> memref<128x128xf32, #tpu.memory_space<hbm>>
      %dma_wait3A_313 = arith.constant 0 : i32
      %dma_wait3A_314 = arith.constant 0 : i32
      %dma_wait3A_315 = tpu.memref_slice %arg6[%dma_wait3A_304, %dma_wait3A_313, %dma_wait3A_314] : memref<7x128x128xf32, #tpu.memory_space<vmem>> -> memref<1x128x128xf32, #tpu.memory_space<vmem>>
      %dma_wait3A_316 = tpu.memref_squeeze %dma_wait3A_315 : memref<1x128x128xf32, #tpu.memory_space<vmem>> -> memref<128x128xf32, #tpu.memory_space<vmem>>
      tpu.wait_dma2 semaphore(%arg8 : memref<!tpu.dma_semaphore, #tpu.memory_space<semaphore_mem>>) src(%dma_wait3A_316 : memref<128x128xf32, #tpu.memory_space<vmem>>) dst(%dma_wait3A_312 : memref<128x128xf32, #tpu.memory_space<hbm>>)
      %dma_wait3A_317 = arith.constant 2 : i32
      %dma_wait3A_318 = arith.constant 0 : i32
      %dma_wait3A_319 = arith.constant 0 : i32
      %dma_wait3A_320 = tpu.memref_slice %arg6[%dma_wait3A_317, %dma_wait3A_318, %dma_wait3A_319] : memref<7x128x128xf32, #tpu.memory_space<vmem>> -> memref<1x128x128xf32, #tpu.memory_space<vmem>>
      %dma_wait3A_321 = tpu.memref_squeeze %dma_wait3A_320 : memref<1x128x128xf32, #tpu.memory_space<vmem>> -> memref<128x128xf32, #tpu.memory_space<vmem>>
      %dma_wait3A_322 = arith.constant 0 : i32
      %dma_wait3A_323 = tpu.memref_slice %arg4[%add3A_169, %dma_wait3A_322] : memref<229376x128xf32, #tpu.memory_space<hbm>> -> memref<128x128xf32, #tpu.memory_space<hbm>>
      %dma_wait3A_324 = arith.constant 0 : i32
      %dma_wait3A_325 = tpu.memref_slice %arg4[%add3A_169, %dma_wait3A_324] : memref<229376x128xf32, #tpu.memory_space<hbm>> -> memref<128x128xf32, #tpu.memory_space<hbm>>
      %dma_wait3A_326 = arith.constant 0 : i32
      %dma_wait3A_327 = arith.constant 0 : i32
      %dma_wait3A_328 = tpu.memref_slice %arg6[%dma_wait3A_317, %dma_wait3A_326, %dma_wait3A_327] : memref<7x128x128xf32, #tpu.memory_space<vmem>> -> memref<1x128x128xf32, #tpu.memory_space<vmem>>
      %dma_wait3A_329 = tpu.memref_squeeze %dma_wait3A_328 : memref<1x128x128xf32, #tpu.memory_space<vmem>> -> memref<128x128xf32, #tpu.memory_space<vmem>>
      tpu.wait_dma2 semaphore(%arg8 : memref<!tpu.dma_semaphore, #tpu.memory_space<semaphore_mem>>) src(%dma_wait3A_329 : memref<128x128xf32, #tpu.memory_space<vmem>>) dst(%dma_wait3A_325 : memref<128x128xf32, #tpu.memory_space<hbm>>)
      %dma_wait3A_330 = arith.constant 3 : i32
      %dma_wait3A_331 = arith.constant 0 : i32
      %dma_wait3A_332 = arith.constant 0 : i32
      %dma_wait3A_333 = tpu.memref_slice %arg6[%dma_wait3A_330, %dma_wait3A_331, %dma_wait3A_332] : memref<7x128x128xf32, #tpu.memory_space<vmem>> -> memref<1x128x128xf32, #tpu.memory_space<vmem>>
      %dma_wait3A_334 = tpu.memref_squeeze %dma_wait3A_333 : memref<1x128x128xf32, #tpu.memory_space<vmem>> -> memref<128x128xf32, #tpu.memory_space<vmem>>
      %dma_wait3A_335 = arith.constant 0 : i32
      %dma_wait3A_336 = tpu.memref_slice %arg4[%add3A_196, %dma_wait3A_335] : memref<229376x128xf32, #tpu.memory_space<hbm>> -> memref<128x128xf32, #tpu.memory_space<hbm>>
      %dma_wait3A_337 = arith.constant 0 : i32
      %dma_wait3A_338 = tpu.memref_slice %arg4[%add3A_196, %dma_wait3A_337] : memref<229376x128xf32, #tpu.memory_space<hbm>> -> memref<128x128xf32, #tpu.memory_space<hbm>>
      %dma_wait3A_339 = arith.constant 0 : i32
      %dma_wait3A_340 = arith.constant 0 : i32
      %dma_wait3A_341 = tpu.memref_slice %arg6[%dma_wait3A_330, %dma_wait3A_339, %dma_wait3A_340] : memref<7x128x128xf32, #tpu.memory_space<vmem>> -> memref<1x128x128xf32, #tpu.memory_space<vmem>>
      %dma_wait3A_342 = tpu.memref_squeeze %dma_wait3A_341 : memref<1x128x128xf32, #tpu.memory_space<vmem>> -> memref<128x128xf32, #tpu.memory_space<vmem>>
      tpu.wait_dma2 semaphore(%arg8 : memref<!tpu.dma_semaphore, #tpu.memory_space<semaphore_mem>>) src(%dma_wait3A_342 : memref<128x128xf32, #tpu.memory_space<vmem>>) dst(%dma_wait3A_338 : memref<128x128xf32, #tpu.memory_space<hbm>>)
      %dma_wait3A_343 = arith.constant 4 : i32
      %dma_wait3A_344 = arith.constant 0 : i32
      %dma_wait3A_345 = arith.constant 0 : i32
      %dma_wait3A_346 = tpu.memref_slice %arg6[%dma_wait3A_343, %dma_wait3A_344, %dma_wait3A_345] : memref<7x128x128xf32, #tpu.memory_space<vmem>> -> memref<1x128x128xf32, #tpu.memory_space<vmem>>
      %dma_wait3A_347 = tpu.memref_squeeze %dma_wait3A_346 : memref<1x128x128xf32, #tpu.memory_space<vmem>> -> memref<128x128xf32, #tpu.memory_space<vmem>>
      %dma_wait3A_348 = arith.constant 0 : i32
      %dma_wait3A_349 = tpu.memref_slice %arg4[%add3A_223, %dma_wait3A_348] : memref<229376x128xf32, #tpu.memory_space<hbm>> -> memref<128x128xf32, #tpu.memory_space<hbm>>
      %dma_wait3A_350 = arith.constant 0 : i32
      %dma_wait3A_351 = tpu.memref_slice %arg4[%add3A_223, %dma_wait3A_350] : memref<229376x128xf32, #tpu.memory_space<hbm>> -> memref<128x128xf32, #tpu.memory_space<hbm>>
      %dma_wait3A_352 = arith.constant 0 : i32
      %dma_wait3A_353 = arith.constant 0 : i32
      %dma_wait3A_354 = tpu.memref_slice %arg6[%dma_wait3A_343, %dma_wait3A_352, %dma_wait3A_353] : memref<7x128x128xf32, #tpu.memory_space<vmem>> -> memref<1x128x128xf32, #tpu.memory_space<vmem>>
      %dma_wait3A_355 = tpu.memref_squeeze %dma_wait3A_354 : memref<1x128x128xf32, #tpu.memory_space<vmem>> -> memref<128x128xf32, #tpu.memory_space<vmem>>
      tpu.wait_dma2 semaphore(%arg8 : memref<!tpu.dma_semaphore, #tpu.memory_space<semaphore_mem>>) src(%dma_wait3A_355 : memref<128x128xf32, #tpu.memory_space<vmem>>) dst(%dma_wait3A_351 : memref<128x128xf32, #tpu.memory_space<hbm>>)
      %dma_wait3A_356 = arith.constant 5 : i32
      %dma_wait3A_357 = arith.constant 0 : i32
      %dma_wait3A_358 = arith.constant 0 : i32
      %dma_wait3A_359 = tpu.memref_slice %arg6[%dma_wait3A_356, %dma_wait3A_357, %dma_wait3A_358] : memref<7x128x128xf32, #tpu.memory_space<vmem>> -> memref<1x128x128xf32, #tpu.memory_space<vmem>>
      %dma_wait3A_360 = tpu.memref_squeeze %dma_wait3A_359 : memref<1x128x128xf32, #tpu.memory_space<vmem>> -> memref<128x128xf32, #tpu.memory_space<vmem>>
      %dma_wait3A_361 = arith.constant 0 : i32
      %dma_wait3A_362 = tpu.memref_slice %arg4[%add3A_250, %dma_wait3A_361] : memref<229376x128xf32, #tpu.memory_space<hbm>> -> memref<128x128xf32, #tpu.memory_space<hbm>>
      %dma_wait3A_363 = arith.constant 0 : i32
      %dma_wait3A_364 = tpu.memref_slice %arg4[%add3A_250, %dma_wait3A_363] : memref<229376x128xf32, #tpu.memory_space<hbm>> -> memref<128x128xf32, #tpu.memory_space<hbm>>
      %dma_wait3A_365 = arith.constant 0 : i32
      %dma_wait3A_366 = arith.constant 0 : i32
      %dma_wait3A_367 = tpu.memref_slice %arg6[%dma_wait3A_356, %dma_wait3A_365, %dma_wait3A_366] : memref<7x128x128xf32, #tpu.memory_space<vmem>> -> memref<1x128x128xf32, #tpu.memory_space<vmem>>
      %dma_wait3A_368 = tpu.memref_squeeze %dma_wait3A_367 : memref<1x128x128xf32, #tpu.memory_space<vmem>> -> memref<128x128xf32, #tpu.memory_space<vmem>>
      tpu.wait_dma2 semaphore(%arg8 : memref<!tpu.dma_semaphore, #tpu.memory_space<semaphore_mem>>) src(%dma_wait3A_368 : memref<128x128xf32, #tpu.memory_space<vmem>>) dst(%dma_wait3A_364 : memref<128x128xf32, #tpu.memory_space<hbm>>)
      %dma_wait3A_369 = arith.constant 6 : i32
      %dma_wait3A_370 = arith.constant 0 : i32
      %dma_wait3A_371 = arith.constant 0 : i32
      %dma_wait3A_372 = tpu.memref_slice %arg6[%dma_wait3A_369, %dma_wait3A_370, %dma_wait3A_371] : memref<7x128x128xf32, #tpu.memory_space<vmem>> -> memref<1x128x128xf32, #tpu.memory_space<vmem>>
      %dma_wait3A_373 = tpu.memref_squeeze %dma_wait3A_372 : memref<1x128x128xf32, #tpu.memory_space<vmem>> -> memref<128x128xf32, #tpu.memory_space<vmem>>
      %dma_wait3A_374 = arith.constant 0 : i32
      %dma_wait3A_375 = tpu.memref_slice %arg4[%add3A_277, %dma_wait3A_374] : memref<229376x128xf32, #tpu.memory_space<hbm>> -> memref<128x128xf32, #tpu.memory_space<hbm>>
      %dma_wait3A_376 = arith.constant 0 : i32
      %dma_wait3A_377 = tpu.memref_slice %arg4[%add3A_277, %dma_wait3A_376] : memref<229376x128xf32, #tpu.memory_space<hbm>> -> memref<128x128xf32, #tpu.memory_space<hbm>>
      %dma_wait3A_378 = arith.constant 0 : i32
      %dma_wait3A_379 = arith.constant 0 : i32
      %dma_wait3A_380 = tpu.memref_slice %arg6[%dma_wait3A_369, %dma_wait3A_378, %dma_wait3A_379] : memref<7x128x128xf32, #tpu.memory_space<vmem>> -> memref<1x128x128xf32, #tpu.memory_space<vmem>>
      %dma_wait3A_381 = tpu.memref_squeeze %dma_wait3A_380 : memref<1x128x128xf32, #tpu.memory_space<vmem>> -> memref<128x128xf32, #tpu.memory_space<vmem>>
      tpu.wait_dma2 semaphore(%arg8 : memref<!tpu.dma_semaphore, #tpu.memory_space<semaphore_mem>>) src(%dma_wait3A_381 : memref<128x128xf32, #tpu.memory_space<vmem>>) dst(%dma_wait3A_377 : memref<128x128xf32, #tpu.memory_space<hbm>>)
    }
    %scan3A_9 = arith.constant 8 : i32
    return
  }
}

#map = affine_map<(d0, d1) -> (0, 0)>
#map1 = affine_map<(d0, d1) -> (0)>
module attributes {stable_mosaic.version = 14 : i64} {
  func.func @sc_gather_f14(%arg0: i32, %arg1: i32, %arg2: memref<100000x128xf32, #tpu.memory_space<hbm>>, %arg3: memref<425984xi32, #tpu.memory_space<hbm>>, %arg4: memref<196608x128xf32, #tpu.memory_space<hbm>>, %arg5: memref<6144xi32, #tpu.memory_space<vmem>>, %arg6: memref<6x128x128xf32, #tpu.memory_space<vmem>>, %arg7: memref<!tpu.dma_semaphore, #tpu.memory_space<semaphore_mem>>, %arg8: memref<!tpu.dma_semaphore, #tpu.memory_space<semaphore_mem>>) attributes {dimension_semantics = [#tpu.dimension_semantics<core_parallel>, #tpu.dimension_semantics<subcore_parallel>], iteration_bounds = array<i64: 2, 16>, scalar_prefetch = 0 : i64, scratch_operands = 4 : i64, tpu.core_type = #tpu.core_type<sc_vector_subcore>, window_params = [{transform_indices = #map}, {transform_indices = #map1}, {transform_indices = #map}]} {
    %mul3A = arith.constant 2 : i32
    %mul3A_0 = arith.muli %arg1, %mul3A : i32
    %add3A = arith.addi %mul3A_0, %arg0 : i32
    %mul3A_1 = arith.constant 6144 : i32
    %mul3A_2 = arith.muli %add3A, %mul3A_1 : i32
    %add3A_3 = arith.constant 229376 : i32
    %add3A_4 = arith.addi %add3A_3, %mul3A_2 : i32
    "tpu.region"() ({
      %run_scoped3A = tpu.sem_alloc : memref<!tpu.dma_semaphore, #tpu.memory_space<semaphore_mem>>
      %dma_start3A = tpu.memref_slice %arg3[%add3A_4] : memref<425984xi32, #tpu.memory_space<hbm>> -> memref<6144xi32, #tpu.memory_space<hbm>>
      %dma_start3A_10 = tpu.memref_slice %arg3[%add3A_4] : memref<425984xi32, #tpu.memory_space<hbm>> -> memref<6144xi32, #tpu.memory_space<hbm>>
      tpu.enqueue_dma source(%dma_start3A_10 : memref<6144xi32, #tpu.memory_space<hbm>>) target(%arg5 : memref<6144xi32, #tpu.memory_space<vmem>>) target_semaphore(%run_scoped3A : memref<!tpu.dma_semaphore, #tpu.memory_space<semaphore_mem>>)
      %dma_wait3A = tpu.memref_slice %arg3[%add3A_4] : memref<425984xi32, #tpu.memory_space<hbm>> -> memref<6144xi32, #tpu.memory_space<hbm>>
      %dma_wait3A_11 = tpu.memref_slice %arg3[%add3A_4] : memref<425984xi32, #tpu.memory_space<hbm>> -> memref<6144xi32, #tpu.memory_space<hbm>>
      tpu.wait_dma2 semaphore(%run_scoped3A : memref<!tpu.dma_semaphore, #tpu.memory_space<semaphore_mem>>) src(%dma_wait3A_11 : memref<6144xi32, #tpu.memory_space<hbm>>) dst(%arg5 : memref<6144xi32, #tpu.memory_space<vmem>>)
      tpu.yield
    }) : () -> ()
    %scan3A = arith.constant 0 : i32
    %scan3A_5 = arith.constant 0 : i32
    %scan3A_6 = arith.constant 8 : i32
    %scan3A_7 = arith.addi %scan3A_5, %scan3A_6 : i32
    %scan3A_8 = arith.constant 1 : i32
    scf.for %scan3A_10 = %scan3A_5 to %scan3A_7 step %scan3A_8  : i32 {
      %mul3A_11 = arith.constant 6 : i32
      %mul3A_12 = arith.muli %scan3A_10, %mul3A_11 : i32
      %add3A_13 = arith.constant 0 : i32
      %add3A_14 = arith.addi %mul3A_12, %add3A_13 : i32
      %mul3A_15 = arith.constant 128 : i32
      %mul3A_16 = arith.muli %add3A_14, %mul3A_15 : i32
      %dma_start3A = arith.constant 0 : i32
      %dma_start3A_17 = arith.constant 0 : i32
      %dma_start3A_18 = arith.constant 0 : i32
      %dma_start3A_19 = tpu.memref_slice %arg6[%dma_start3A, %dma_start3A_17, %dma_start3A_18] : memref<6x128x128xf32, #tpu.memory_space<vmem>> -> memref<1x128x128xf32, #tpu.memory_space<vmem>>
      %dma_start3A_20 = tpu.memref_squeeze %dma_start3A_19 : memref<1x128x128xf32, #tpu.memory_space<vmem>> -> memref<128x128xf32, #tpu.memory_space<vmem>>
      %dma_start3A_21 = tpu.memref_slice %arg5[%mul3A_16] : memref<6144xi32, #tpu.memory_space<vmem>> -> memref<128xi32, #tpu.memory_space<vmem>>
      %dma_start3A_22 = arith.constant 0 : i32
      %dma_start3A_23 = arith.constant 0 : i32
      %dma_start3A_24 = tpu.memref_slice %arg2[%dma_start3A_22, %dma_start3A_23] : memref<100000x128xf32, #tpu.memory_space<hbm>> -> memref<100000x128xf32, #tpu.memory_space<hbm>>
      tpu.enqueue_indirect_dma source(%dma_start3A_24 : memref<100000x128xf32, #tpu.memory_space<hbm>>) target(%dma_start3A_20 : memref<128x128xf32, #tpu.memory_space<vmem>>) offsets(%dma_start3A_21 : memref<128xi32, #tpu.memory_space<vmem>>) semaphore(%arg7 : memref<!tpu.dma_semaphore, #tpu.memory_space<semaphore_mem>>)
      %add3A_25 = arith.constant 1 : i32
      %add3A_26 = arith.addi %mul3A_12, %add3A_25 : i32
      %mul3A_27 = arith.constant 128 : i32
      %mul3A_28 = arith.muli %add3A_26, %mul3A_27 : i32
      %dma_start3A_29 = arith.constant 1 : i32
      %dma_start3A_30 = arith.constant 0 : i32
      %dma_start3A_31 = arith.constant 0 : i32
      %dma_start3A_32 = tpu.memref_slice %arg6[%dma_start3A_29, %dma_start3A_30, %dma_start3A_31] : memref<6x128x128xf32, #tpu.memory_space<vmem>> -> memref<1x128x128xf32, #tpu.memory_space<vmem>>
      %dma_start3A_33 = tpu.memref_squeeze %dma_start3A_32 : memref<1x128x128xf32, #tpu.memory_space<vmem>> -> memref<128x128xf32, #tpu.memory_space<vmem>>
      %dma_start3A_34 = tpu.memref_slice %arg5[%mul3A_28] : memref<6144xi32, #tpu.memory_space<vmem>> -> memref<128xi32, #tpu.memory_space<vmem>>
      %dma_start3A_35 = arith.constant 0 : i32
      %dma_start3A_36 = arith.constant 0 : i32
      %dma_start3A_37 = tpu.memref_slice %arg2[%dma_start3A_35, %dma_start3A_36] : memref<100000x128xf32, #tpu.memory_space<hbm>> -> memref<100000x128xf32, #tpu.memory_space<hbm>>
      tpu.enqueue_indirect_dma source(%dma_start3A_37 : memref<100000x128xf32, #tpu.memory_space<hbm>>) target(%dma_start3A_33 : memref<128x128xf32, #tpu.memory_space<vmem>>) offsets(%dma_start3A_34 : memref<128xi32, #tpu.memory_space<vmem>>) semaphore(%arg7 : memref<!tpu.dma_semaphore, #tpu.memory_space<semaphore_mem>>)
      %add3A_38 = arith.constant 2 : i32
      %add3A_39 = arith.addi %mul3A_12, %add3A_38 : i32
      %mul3A_40 = arith.constant 128 : i32
      %mul3A_41 = arith.muli %add3A_39, %mul3A_40 : i32
      %dma_start3A_42 = arith.constant 2 : i32
      %dma_start3A_43 = arith.constant 0 : i32
      %dma_start3A_44 = arith.constant 0 : i32
      %dma_start3A_45 = tpu.memref_slice %arg6[%dma_start3A_42, %dma_start3A_43, %dma_start3A_44] : memref<6x128x128xf32, #tpu.memory_space<vmem>> -> memref<1x128x128xf32, #tpu.memory_space<vmem>>
      %dma_start3A_46 = tpu.memref_squeeze %dma_start3A_45 : memref<1x128x128xf32, #tpu.memory_space<vmem>> -> memref<128x128xf32, #tpu.memory_space<vmem>>
      %dma_start3A_47 = tpu.memref_slice %arg5[%mul3A_41] : memref<6144xi32, #tpu.memory_space<vmem>> -> memref<128xi32, #tpu.memory_space<vmem>>
      %dma_start3A_48 = arith.constant 0 : i32
      %dma_start3A_49 = arith.constant 0 : i32
      %dma_start3A_50 = tpu.memref_slice %arg2[%dma_start3A_48, %dma_start3A_49] : memref<100000x128xf32, #tpu.memory_space<hbm>> -> memref<100000x128xf32, #tpu.memory_space<hbm>>
      tpu.enqueue_indirect_dma source(%dma_start3A_50 : memref<100000x128xf32, #tpu.memory_space<hbm>>) target(%dma_start3A_46 : memref<128x128xf32, #tpu.memory_space<vmem>>) offsets(%dma_start3A_47 : memref<128xi32, #tpu.memory_space<vmem>>) semaphore(%arg7 : memref<!tpu.dma_semaphore, #tpu.memory_space<semaphore_mem>>)
      %add3A_51 = arith.constant 3 : i32
      %add3A_52 = arith.addi %mul3A_12, %add3A_51 : i32
      %mul3A_53 = arith.constant 128 : i32
      %mul3A_54 = arith.muli %add3A_52, %mul3A_53 : i32
      %dma_start3A_55 = arith.constant 3 : i32
      %dma_start3A_56 = arith.constant 0 : i32
      %dma_start3A_57 = arith.constant 0 : i32
      %dma_start3A_58 = tpu.memref_slice %arg6[%dma_start3A_55, %dma_start3A_56, %dma_start3A_57] : memref<6x128x128xf32, #tpu.memory_space<vmem>> -> memref<1x128x128xf32, #tpu.memory_space<vmem>>
      %dma_start3A_59 = tpu.memref_squeeze %dma_start3A_58 : memref<1x128x128xf32, #tpu.memory_space<vmem>> -> memref<128x128xf32, #tpu.memory_space<vmem>>
      %dma_start3A_60 = tpu.memref_slice %arg5[%mul3A_54] : memref<6144xi32, #tpu.memory_space<vmem>> -> memref<128xi32, #tpu.memory_space<vmem>>
      %dma_start3A_61 = arith.constant 0 : i32
      %dma_start3A_62 = arith.constant 0 : i32
      %dma_start3A_63 = tpu.memref_slice %arg2[%dma_start3A_61, %dma_start3A_62] : memref<100000x128xf32, #tpu.memory_space<hbm>> -> memref<100000x128xf32, #tpu.memory_space<hbm>>
      tpu.enqueue_indirect_dma source(%dma_start3A_63 : memref<100000x128xf32, #tpu.memory_space<hbm>>) target(%dma_start3A_59 : memref<128x128xf32, #tpu.memory_space<vmem>>) offsets(%dma_start3A_60 : memref<128xi32, #tpu.memory_space<vmem>>) semaphore(%arg7 : memref<!tpu.dma_semaphore, #tpu.memory_space<semaphore_mem>>)
      %add3A_64 = arith.constant 4 : i32
      %add3A_65 = arith.addi %mul3A_12, %add3A_64 : i32
      %mul3A_66 = arith.constant 128 : i32
      %mul3A_67 = arith.muli %add3A_65, %mul3A_66 : i32
      %dma_start3A_68 = arith.constant 4 : i32
      %dma_start3A_69 = arith.constant 0 : i32
      %dma_start3A_70 = arith.constant 0 : i32
      %dma_start3A_71 = tpu.memref_slice %arg6[%dma_start3A_68, %dma_start3A_69, %dma_start3A_70] : memref<6x128x128xf32, #tpu.memory_space<vmem>> -> memref<1x128x128xf32, #tpu.memory_space<vmem>>
      %dma_start3A_72 = tpu.memref_squeeze %dma_start3A_71 : memref<1x128x128xf32, #tpu.memory_space<vmem>> -> memref<128x128xf32, #tpu.memory_space<vmem>>
      %dma_start3A_73 = tpu.memref_slice %arg5[%mul3A_67] : memref<6144xi32, #tpu.memory_space<vmem>> -> memref<128xi32, #tpu.memory_space<vmem>>
      %dma_start3A_74 = arith.constant 0 : i32
      %dma_start3A_75 = arith.constant 0 : i32
      %dma_start3A_76 = tpu.memref_slice %arg2[%dma_start3A_74, %dma_start3A_75] : memref<100000x128xf32, #tpu.memory_space<hbm>> -> memref<100000x128xf32, #tpu.memory_space<hbm>>
      tpu.enqueue_indirect_dma source(%dma_start3A_76 : memref<100000x128xf32, #tpu.memory_space<hbm>>) target(%dma_start3A_72 : memref<128x128xf32, #tpu.memory_space<vmem>>) offsets(%dma_start3A_73 : memref<128xi32, #tpu.memory_space<vmem>>) semaphore(%arg7 : memref<!tpu.dma_semaphore, #tpu.memory_space<semaphore_mem>>)
      %add3A_77 = arith.constant 5 : i32
      %add3A_78 = arith.addi %mul3A_12, %add3A_77 : i32
      %mul3A_79 = arith.constant 128 : i32
      %mul3A_80 = arith.muli %add3A_78, %mul3A_79 : i32
      %dma_start3A_81 = arith.constant 5 : i32
      %dma_start3A_82 = arith.constant 0 : i32
      %dma_start3A_83 = arith.constant 0 : i32
      %dma_start3A_84 = tpu.memref_slice %arg6[%dma_start3A_81, %dma_start3A_82, %dma_start3A_83] : memref<6x128x128xf32, #tpu.memory_space<vmem>> -> memref<1x128x128xf32, #tpu.memory_space<vmem>>
      %dma_start3A_85 = tpu.memref_squeeze %dma_start3A_84 : memref<1x128x128xf32, #tpu.memory_space<vmem>> -> memref<128x128xf32, #tpu.memory_space<vmem>>
      %dma_start3A_86 = tpu.memref_slice %arg5[%mul3A_80] : memref<6144xi32, #tpu.memory_space<vmem>> -> memref<128xi32, #tpu.memory_space<vmem>>
      %dma_start3A_87 = arith.constant 0 : i32
      %dma_start3A_88 = arith.constant 0 : i32
      %dma_start3A_89 = tpu.memref_slice %arg2[%dma_start3A_87, %dma_start3A_88] : memref<100000x128xf32, #tpu.memory_space<hbm>> -> memref<100000x128xf32, #tpu.memory_space<hbm>>
      tpu.enqueue_indirect_dma source(%dma_start3A_89 : memref<100000x128xf32, #tpu.memory_space<hbm>>) target(%dma_start3A_85 : memref<128x128xf32, #tpu.memory_space<vmem>>) offsets(%dma_start3A_86 : memref<128xi32, #tpu.memory_space<vmem>>) semaphore(%arg7 : memref<!tpu.dma_semaphore, #tpu.memory_space<semaphore_mem>>)
      %dma_wait3A = arith.constant 0 : i32
      %dma_wait3A_90 = arith.constant 0 : i32
      %dma_wait3A_91 = arith.constant 0 : i32
      %dma_wait3A_92 = tpu.memref_slice %arg6[%dma_wait3A, %dma_wait3A_90, %dma_wait3A_91] : memref<6x128x128xf32, #tpu.memory_space<vmem>> -> memref<1x128x128xf32, #tpu.memory_space<vmem>>
      %dma_wait3A_93 = tpu.memref_squeeze %dma_wait3A_92 : memref<1x128x128xf32, #tpu.memory_space<vmem>> -> memref<128x128xf32, #tpu.memory_space<vmem>>
      %dma_wait3A_94 = tpu.memref_slice %arg5[%mul3A_16] : memref<6144xi32, #tpu.memory_space<vmem>> -> memref<128xi32, #tpu.memory_space<vmem>>
      %dma_wait3A_95 = arith.constant 0 : i32
      %dma_wait3A_96 = arith.constant 0 : i32
      %dma_wait3A_97 = tpu.memref_slice %arg2[%dma_wait3A_95, %dma_wait3A_96] : memref<100000x128xf32, #tpu.memory_space<hbm>> -> memref<100000x128xf32, #tpu.memory_space<hbm>>
      tpu.wait_indirect_dma semaphore(%arg7 : memref<!tpu.dma_semaphore, #tpu.memory_space<semaphore_mem>>) src(%dma_wait3A_97 : memref<100000x128xf32, #tpu.memory_space<hbm>>) dst(%dma_wait3A_93 : memref<128x128xf32, #tpu.memory_space<vmem>>)
      %add3A_98 = arith.constant 0 : i32
      %add3A_99 = arith.addi %mul3A_12, %add3A_98 : i32
      %mul3A_100 = arith.constant 128 : i32
      %mul3A_101 = arith.muli %add3A_99, %mul3A_100 : i32
      %add3A_102 = arith.addi %mul3A_2, %mul3A_101 : i32
      %dma_start3A_103 = arith.constant 0 : i32
      %dma_start3A_104 = arith.constant 0 : i32
      %dma_start3A_105 = arith.constant 0 : i32
      %dma_start3A_106 = tpu.memref_slice %arg6[%dma_start3A_103, %dma_start3A_104, %dma_start3A_105] : memref<6x128x128xf32, #tpu.memory_space<vmem>> -> memref<1x128x128xf32, #tpu.memory_space<vmem>>
      %dma_start3A_107 = tpu.memref_squeeze %dma_start3A_106 : memref<1x128x128xf32, #tpu.memory_space<vmem>> -> memref<128x128xf32, #tpu.memory_space<vmem>>
      %dma_start3A_108 = arith.constant 0 : i32
      %dma_start3A_109 = tpu.memref_slice %arg4[%add3A_102, %dma_start3A_108] : memref<196608x128xf32, #tpu.memory_space<hbm>> -> memref<128x128xf32, #tpu.memory_space<hbm>>
      %dma_start3A_110 = arith.constant 0 : i32
      %dma_start3A_111 = tpu.memref_slice %arg4[%add3A_102, %dma_start3A_110] : memref<196608x128xf32, #tpu.memory_space<hbm>> -> memref<128x128xf32, #tpu.memory_space<hbm>>
      %dma_start3A_112 = arith.constant 0 : i32
      %dma_start3A_113 = arith.constant 0 : i32
      %dma_start3A_114 = tpu.memref_slice %arg6[%dma_start3A_103, %dma_start3A_112, %dma_start3A_113] : memref<6x128x128xf32, #tpu.memory_space<vmem>> -> memref<1x128x128xf32, #tpu.memory_space<vmem>>
      %dma_start3A_115 = tpu.memref_squeeze %dma_start3A_114 : memref<1x128x128xf32, #tpu.memory_space<vmem>> -> memref<128x128xf32, #tpu.memory_space<vmem>>
      tpu.enqueue_dma source(%dma_start3A_115 : memref<128x128xf32, #tpu.memory_space<vmem>>) target(%dma_start3A_111 : memref<128x128xf32, #tpu.memory_space<hbm>>) target_semaphore(%arg8 : memref<!tpu.dma_semaphore, #tpu.memory_space<semaphore_mem>>)
      %dma_wait3A_116 = arith.constant 1 : i32
      %dma_wait3A_117 = arith.constant 0 : i32
      %dma_wait3A_118 = arith.constant 0 : i32
      %dma_wait3A_119 = tpu.memref_slice %arg6[%dma_wait3A_116, %dma_wait3A_117, %dma_wait3A_118] : memref<6x128x128xf32, #tpu.memory_space<vmem>> -> memref<1x128x128xf32, #tpu.memory_space<vmem>>
      %dma_wait3A_120 = tpu.memref_squeeze %dma_wait3A_119 : memref<1x128x128xf32, #tpu.memory_space<vmem>> -> memref<128x128xf32, #tpu.memory_space<vmem>>
      %dma_wait3A_121 = tpu.memref_slice %arg5[%mul3A_28] : memref<6144xi32, #tpu.memory_space<vmem>> -> memref<128xi32, #tpu.memory_space<vmem>>
      %dma_wait3A_122 = arith.constant 0 : i32
      %dma_wait3A_123 = arith.constant 0 : i32
      %dma_wait3A_124 = tpu.memref_slice %arg2[%dma_wait3A_122, %dma_wait3A_123] : memref<100000x128xf32, #tpu.memory_space<hbm>> -> memref<100000x128xf32, #tpu.memory_space<hbm>>
      tpu.wait_indirect_dma semaphore(%arg7 : memref<!tpu.dma_semaphore, #tpu.memory_space<semaphore_mem>>) src(%dma_wait3A_124 : memref<100000x128xf32, #tpu.memory_space<hbm>>) dst(%dma_wait3A_120 : memref<128x128xf32, #tpu.memory_space<vmem>>)
      %add3A_125 = arith.constant 1 : i32
      %add3A_126 = arith.addi %mul3A_12, %add3A_125 : i32
      %mul3A_127 = arith.constant 128 : i32
      %mul3A_128 = arith.muli %add3A_126, %mul3A_127 : i32
      %add3A_129 = arith.addi %mul3A_2, %mul3A_128 : i32
      %dma_start3A_130 = arith.constant 1 : i32
      %dma_start3A_131 = arith.constant 0 : i32
      %dma_start3A_132 = arith.constant 0 : i32
      %dma_start3A_133 = tpu.memref_slice %arg6[%dma_start3A_130, %dma_start3A_131, %dma_start3A_132] : memref<6x128x128xf32, #tpu.memory_space<vmem>> -> memref<1x128x128xf32, #tpu.memory_space<vmem>>
      %dma_start3A_134 = tpu.memref_squeeze %dma_start3A_133 : memref<1x128x128xf32, #tpu.memory_space<vmem>> -> memref<128x128xf32, #tpu.memory_space<vmem>>
      %dma_start3A_135 = arith.constant 0 : i32
      %dma_start3A_136 = tpu.memref_slice %arg4[%add3A_129, %dma_start3A_135] : memref<196608x128xf32, #tpu.memory_space<hbm>> -> memref<128x128xf32, #tpu.memory_space<hbm>>
      %dma_start3A_137 = arith.constant 0 : i32
      %dma_start3A_138 = tpu.memref_slice %arg4[%add3A_129, %dma_start3A_137] : memref<196608x128xf32, #tpu.memory_space<hbm>> -> memref<128x128xf32, #tpu.memory_space<hbm>>
      %dma_start3A_139 = arith.constant 0 : i32
      %dma_start3A_140 = arith.constant 0 : i32
      %dma_start3A_141 = tpu.memref_slice %arg6[%dma_start3A_130, %dma_start3A_139, %dma_start3A_140] : memref<6x128x128xf32, #tpu.memory_space<vmem>> -> memref<1x128x128xf32, #tpu.memory_space<vmem>>
      %dma_start3A_142 = tpu.memref_squeeze %dma_start3A_141 : memref<1x128x128xf32, #tpu.memory_space<vmem>> -> memref<128x128xf32, #tpu.memory_space<vmem>>
      tpu.enqueue_dma source(%dma_start3A_142 : memref<128x128xf32, #tpu.memory_space<vmem>>) target(%dma_start3A_138 : memref<128x128xf32, #tpu.memory_space<hbm>>) target_semaphore(%arg8 : memref<!tpu.dma_semaphore, #tpu.memory_space<semaphore_mem>>)
      %dma_wait3A_143 = arith.constant 2 : i32
      %dma_wait3A_144 = arith.constant 0 : i32
      %dma_wait3A_145 = arith.constant 0 : i32
      %dma_wait3A_146 = tpu.memref_slice %arg6[%dma_wait3A_143, %dma_wait3A_144, %dma_wait3A_145] : memref<6x128x128xf32, #tpu.memory_space<vmem>> -> memref<1x128x128xf32, #tpu.memory_space<vmem>>
      %dma_wait3A_147 = tpu.memref_squeeze %dma_wait3A_146 : memref<1x128x128xf32, #tpu.memory_space<vmem>> -> memref<128x128xf32, #tpu.memory_space<vmem>>
      %dma_wait3A_148 = tpu.memref_slice %arg5[%mul3A_41] : memref<6144xi32, #tpu.memory_space<vmem>> -> memref<128xi32, #tpu.memory_space<vmem>>
      %dma_wait3A_149 = arith.constant 0 : i32
      %dma_wait3A_150 = arith.constant 0 : i32
      %dma_wait3A_151 = tpu.memref_slice %arg2[%dma_wait3A_149, %dma_wait3A_150] : memref<100000x128xf32, #tpu.memory_space<hbm>> -> memref<100000x128xf32, #tpu.memory_space<hbm>>
      tpu.wait_indirect_dma semaphore(%arg7 : memref<!tpu.dma_semaphore, #tpu.memory_space<semaphore_mem>>) src(%dma_wait3A_151 : memref<100000x128xf32, #tpu.memory_space<hbm>>) dst(%dma_wait3A_147 : memref<128x128xf32, #tpu.memory_space<vmem>>)
      %add3A_152 = arith.constant 2 : i32
      %add3A_153 = arith.addi %mul3A_12, %add3A_152 : i32
      %mul3A_154 = arith.constant 128 : i32
      %mul3A_155 = arith.muli %add3A_153, %mul3A_154 : i32
      %add3A_156 = arith.addi %mul3A_2, %mul3A_155 : i32
      %dma_start3A_157 = arith.constant 2 : i32
      %dma_start3A_158 = arith.constant 0 : i32
      %dma_start3A_159 = arith.constant 0 : i32
      %dma_start3A_160 = tpu.memref_slice %arg6[%dma_start3A_157, %dma_start3A_158, %dma_start3A_159] : memref<6x128x128xf32, #tpu.memory_space<vmem>> -> memref<1x128x128xf32, #tpu.memory_space<vmem>>
      %dma_start3A_161 = tpu.memref_squeeze %dma_start3A_160 : memref<1x128x128xf32, #tpu.memory_space<vmem>> -> memref<128x128xf32, #tpu.memory_space<vmem>>
      %dma_start3A_162 = arith.constant 0 : i32
      %dma_start3A_163 = tpu.memref_slice %arg4[%add3A_156, %dma_start3A_162] : memref<196608x128xf32, #tpu.memory_space<hbm>> -> memref<128x128xf32, #tpu.memory_space<hbm>>
      %dma_start3A_164 = arith.constant 0 : i32
      %dma_start3A_165 = tpu.memref_slice %arg4[%add3A_156, %dma_start3A_164] : memref<196608x128xf32, #tpu.memory_space<hbm>> -> memref<128x128xf32, #tpu.memory_space<hbm>>
      %dma_start3A_166 = arith.constant 0 : i32
      %dma_start3A_167 = arith.constant 0 : i32
      %dma_start3A_168 = tpu.memref_slice %arg6[%dma_start3A_157, %dma_start3A_166, %dma_start3A_167] : memref<6x128x128xf32, #tpu.memory_space<vmem>> -> memref<1x128x128xf32, #tpu.memory_space<vmem>>
      %dma_start3A_169 = tpu.memref_squeeze %dma_start3A_168 : memref<1x128x128xf32, #tpu.memory_space<vmem>> -> memref<128x128xf32, #tpu.memory_space<vmem>>
      tpu.enqueue_dma source(%dma_start3A_169 : memref<128x128xf32, #tpu.memory_space<vmem>>) target(%dma_start3A_165 : memref<128x128xf32, #tpu.memory_space<hbm>>) target_semaphore(%arg8 : memref<!tpu.dma_semaphore, #tpu.memory_space<semaphore_mem>>)
      %dma_wait3A_170 = arith.constant 3 : i32
      %dma_wait3A_171 = arith.constant 0 : i32
      %dma_wait3A_172 = arith.constant 0 : i32
      %dma_wait3A_173 = tpu.memref_slice %arg6[%dma_wait3A_170, %dma_wait3A_171, %dma_wait3A_172] : memref<6x128x128xf32, #tpu.memory_space<vmem>> -> memref<1x128x128xf32, #tpu.memory_space<vmem>>
      %dma_wait3A_174 = tpu.memref_squeeze %dma_wait3A_173 : memref<1x128x128xf32, #tpu.memory_space<vmem>> -> memref<128x128xf32, #tpu.memory_space<vmem>>
      %dma_wait3A_175 = tpu.memref_slice %arg5[%mul3A_54] : memref<6144xi32, #tpu.memory_space<vmem>> -> memref<128xi32, #tpu.memory_space<vmem>>
      %dma_wait3A_176 = arith.constant 0 : i32
      %dma_wait3A_177 = arith.constant 0 : i32
      %dma_wait3A_178 = tpu.memref_slice %arg2[%dma_wait3A_176, %dma_wait3A_177] : memref<100000x128xf32, #tpu.memory_space<hbm>> -> memref<100000x128xf32, #tpu.memory_space<hbm>>
      tpu.wait_indirect_dma semaphore(%arg7 : memref<!tpu.dma_semaphore, #tpu.memory_space<semaphore_mem>>) src(%dma_wait3A_178 : memref<100000x128xf32, #tpu.memory_space<hbm>>) dst(%dma_wait3A_174 : memref<128x128xf32, #tpu.memory_space<vmem>>)
      %add3A_179 = arith.constant 3 : i32
      %add3A_180 = arith.addi %mul3A_12, %add3A_179 : i32
      %mul3A_181 = arith.constant 128 : i32
      %mul3A_182 = arith.muli %add3A_180, %mul3A_181 : i32
      %add3A_183 = arith.addi %mul3A_2, %mul3A_182 : i32
      %dma_start3A_184 = arith.constant 3 : i32
      %dma_start3A_185 = arith.constant 0 : i32
      %dma_start3A_186 = arith.constant 0 : i32
      %dma_start3A_187 = tpu.memref_slice %arg6[%dma_start3A_184, %dma_start3A_185, %dma_start3A_186] : memref<6x128x128xf32, #tpu.memory_space<vmem>> -> memref<1x128x128xf32, #tpu.memory_space<vmem>>
      %dma_start3A_188 = tpu.memref_squeeze %dma_start3A_187 : memref<1x128x128xf32, #tpu.memory_space<vmem>> -> memref<128x128xf32, #tpu.memory_space<vmem>>
      %dma_start3A_189 = arith.constant 0 : i32
      %dma_start3A_190 = tpu.memref_slice %arg4[%add3A_183, %dma_start3A_189] : memref<196608x128xf32, #tpu.memory_space<hbm>> -> memref<128x128xf32, #tpu.memory_space<hbm>>
      %dma_start3A_191 = arith.constant 0 : i32
      %dma_start3A_192 = tpu.memref_slice %arg4[%add3A_183, %dma_start3A_191] : memref<196608x128xf32, #tpu.memory_space<hbm>> -> memref<128x128xf32, #tpu.memory_space<hbm>>
      %dma_start3A_193 = arith.constant 0 : i32
      %dma_start3A_194 = arith.constant 0 : i32
      %dma_start3A_195 = tpu.memref_slice %arg6[%dma_start3A_184, %dma_start3A_193, %dma_start3A_194] : memref<6x128x128xf32, #tpu.memory_space<vmem>> -> memref<1x128x128xf32, #tpu.memory_space<vmem>>
      %dma_start3A_196 = tpu.memref_squeeze %dma_start3A_195 : memref<1x128x128xf32, #tpu.memory_space<vmem>> -> memref<128x128xf32, #tpu.memory_space<vmem>>
      tpu.enqueue_dma source(%dma_start3A_196 : memref<128x128xf32, #tpu.memory_space<vmem>>) target(%dma_start3A_192 : memref<128x128xf32, #tpu.memory_space<hbm>>) target_semaphore(%arg8 : memref<!tpu.dma_semaphore, #tpu.memory_space<semaphore_mem>>)
      %dma_wait3A_197 = arith.constant 4 : i32
      %dma_wait3A_198 = arith.constant 0 : i32
      %dma_wait3A_199 = arith.constant 0 : i32
      %dma_wait3A_200 = tpu.memref_slice %arg6[%dma_wait3A_197, %dma_wait3A_198, %dma_wait3A_199] : memref<6x128x128xf32, #tpu.memory_space<vmem>> -> memref<1x128x128xf32, #tpu.memory_space<vmem>>
      %dma_wait3A_201 = tpu.memref_squeeze %dma_wait3A_200 : memref<1x128x128xf32, #tpu.memory_space<vmem>> -> memref<128x128xf32, #tpu.memory_space<vmem>>
      %dma_wait3A_202 = tpu.memref_slice %arg5[%mul3A_67] : memref<6144xi32, #tpu.memory_space<vmem>> -> memref<128xi32, #tpu.memory_space<vmem>>
      %dma_wait3A_203 = arith.constant 0 : i32
      %dma_wait3A_204 = arith.constant 0 : i32
      %dma_wait3A_205 = tpu.memref_slice %arg2[%dma_wait3A_203, %dma_wait3A_204] : memref<100000x128xf32, #tpu.memory_space<hbm>> -> memref<100000x128xf32, #tpu.memory_space<hbm>>
      tpu.wait_indirect_dma semaphore(%arg7 : memref<!tpu.dma_semaphore, #tpu.memory_space<semaphore_mem>>) src(%dma_wait3A_205 : memref<100000x128xf32, #tpu.memory_space<hbm>>) dst(%dma_wait3A_201 : memref<128x128xf32, #tpu.memory_space<vmem>>)
      %add3A_206 = arith.constant 4 : i32
      %add3A_207 = arith.addi %mul3A_12, %add3A_206 : i32
      %mul3A_208 = arith.constant 128 : i32
      %mul3A_209 = arith.muli %add3A_207, %mul3A_208 : i32
      %add3A_210 = arith.addi %mul3A_2, %mul3A_209 : i32
      %dma_start3A_211 = arith.constant 4 : i32
      %dma_start3A_212 = arith.constant 0 : i32
      %dma_start3A_213 = arith.constant 0 : i32
      %dma_start3A_214 = tpu.memref_slice %arg6[%dma_start3A_211, %dma_start3A_212, %dma_start3A_213] : memref<6x128x128xf32, #tpu.memory_space<vmem>> -> memref<1x128x128xf32, #tpu.memory_space<vmem>>
      %dma_start3A_215 = tpu.memref_squeeze %dma_start3A_214 : memref<1x128x128xf32, #tpu.memory_space<vmem>> -> memref<128x128xf32, #tpu.memory_space<vmem>>
      %dma_start3A_216 = arith.constant 0 : i32
      %dma_start3A_217 = tpu.memref_slice %arg4[%add3A_210, %dma_start3A_216] : memref<196608x128xf32, #tpu.memory_space<hbm>> -> memref<128x128xf32, #tpu.memory_space<hbm>>
      %dma_start3A_218 = arith.constant 0 : i32
      %dma_start3A_219 = tpu.memref_slice %arg4[%add3A_210, %dma_start3A_218] : memref<196608x128xf32, #tpu.memory_space<hbm>> -> memref<128x128xf32, #tpu.memory_space<hbm>>
      %dma_start3A_220 = arith.constant 0 : i32
      %dma_start3A_221 = arith.constant 0 : i32
      %dma_start3A_222 = tpu.memref_slice %arg6[%dma_start3A_211, %dma_start3A_220, %dma_start3A_221] : memref<6x128x128xf32, #tpu.memory_space<vmem>> -> memref<1x128x128xf32, #tpu.memory_space<vmem>>
      %dma_start3A_223 = tpu.memref_squeeze %dma_start3A_222 : memref<1x128x128xf32, #tpu.memory_space<vmem>> -> memref<128x128xf32, #tpu.memory_space<vmem>>
      tpu.enqueue_dma source(%dma_start3A_223 : memref<128x128xf32, #tpu.memory_space<vmem>>) target(%dma_start3A_219 : memref<128x128xf32, #tpu.memory_space<hbm>>) target_semaphore(%arg8 : memref<!tpu.dma_semaphore, #tpu.memory_space<semaphore_mem>>)
      %dma_wait3A_224 = arith.constant 5 : i32
      %dma_wait3A_225 = arith.constant 0 : i32
      %dma_wait3A_226 = arith.constant 0 : i32
      %dma_wait3A_227 = tpu.memref_slice %arg6[%dma_wait3A_224, %dma_wait3A_225, %dma_wait3A_226] : memref<6x128x128xf32, #tpu.memory_space<vmem>> -> memref<1x128x128xf32, #tpu.memory_space<vmem>>
      %dma_wait3A_228 = tpu.memref_squeeze %dma_wait3A_227 : memref<1x128x128xf32, #tpu.memory_space<vmem>> -> memref<128x128xf32, #tpu.memory_space<vmem>>
      %dma_wait3A_229 = tpu.memref_slice %arg5[%mul3A_80] : memref<6144xi32, #tpu.memory_space<vmem>> -> memref<128xi32, #tpu.memory_space<vmem>>
      %dma_wait3A_230 = arith.constant 0 : i32
      %dma_wait3A_231 = arith.constant 0 : i32
      %dma_wait3A_232 = tpu.memref_slice %arg2[%dma_wait3A_230, %dma_wait3A_231] : memref<100000x128xf32, #tpu.memory_space<hbm>> -> memref<100000x128xf32, #tpu.memory_space<hbm>>
      tpu.wait_indirect_dma semaphore(%arg7 : memref<!tpu.dma_semaphore, #tpu.memory_space<semaphore_mem>>) src(%dma_wait3A_232 : memref<100000x128xf32, #tpu.memory_space<hbm>>) dst(%dma_wait3A_228 : memref<128x128xf32, #tpu.memory_space<vmem>>)
      %add3A_233 = arith.constant 5 : i32
      %add3A_234 = arith.addi %mul3A_12, %add3A_233 : i32
      %mul3A_235 = arith.constant 128 : i32
      %mul3A_236 = arith.muli %add3A_234, %mul3A_235 : i32
      %add3A_237 = arith.addi %mul3A_2, %mul3A_236 : i32
      %dma_start3A_238 = arith.constant 5 : i32
      %dma_start3A_239 = arith.constant 0 : i32
      %dma_start3A_240 = arith.constant 0 : i32
      %dma_start3A_241 = tpu.memref_slice %arg6[%dma_start3A_238, %dma_start3A_239, %dma_start3A_240] : memref<6x128x128xf32, #tpu.memory_space<vmem>> -> memref<1x128x128xf32, #tpu.memory_space<vmem>>
      %dma_start3A_242 = tpu.memref_squeeze %dma_start3A_241 : memref<1x128x128xf32, #tpu.memory_space<vmem>> -> memref<128x128xf32, #tpu.memory_space<vmem>>
      %dma_start3A_243 = arith.constant 0 : i32
      %dma_start3A_244 = tpu.memref_slice %arg4[%add3A_237, %dma_start3A_243] : memref<196608x128xf32, #tpu.memory_space<hbm>> -> memref<128x128xf32, #tpu.memory_space<hbm>>
      %dma_start3A_245 = arith.constant 0 : i32
      %dma_start3A_246 = tpu.memref_slice %arg4[%add3A_237, %dma_start3A_245] : memref<196608x128xf32, #tpu.memory_space<hbm>> -> memref<128x128xf32, #tpu.memory_space<hbm>>
      %dma_start3A_247 = arith.constant 0 : i32
      %dma_start3A_248 = arith.constant 0 : i32
      %dma_start3A_249 = tpu.memref_slice %arg6[%dma_start3A_238, %dma_start3A_247, %dma_start3A_248] : memref<6x128x128xf32, #tpu.memory_space<vmem>> -> memref<1x128x128xf32, #tpu.memory_space<vmem>>
      %dma_start3A_250 = tpu.memref_squeeze %dma_start3A_249 : memref<1x128x128xf32, #tpu.memory_space<vmem>> -> memref<128x128xf32, #tpu.memory_space<vmem>>
      tpu.enqueue_dma source(%dma_start3A_250 : memref<128x128xf32, #tpu.memory_space<vmem>>) target(%dma_start3A_246 : memref<128x128xf32, #tpu.memory_space<hbm>>) target_semaphore(%arg8 : memref<!tpu.dma_semaphore, #tpu.memory_space<semaphore_mem>>)
      %dma_wait3A_251 = arith.constant 0 : i32
      %dma_wait3A_252 = arith.constant 0 : i32
      %dma_wait3A_253 = arith.constant 0 : i32
      %dma_wait3A_254 = tpu.memref_slice %arg6[%dma_wait3A_251, %dma_wait3A_252, %dma_wait3A_253] : memref<6x128x128xf32, #tpu.memory_space<vmem>> -> memref<1x128x128xf32, #tpu.memory_space<vmem>>
      %dma_wait3A_255 = tpu.memref_squeeze %dma_wait3A_254 : memref<1x128x128xf32, #tpu.memory_space<vmem>> -> memref<128x128xf32, #tpu.memory_space<vmem>>
      %dma_wait3A_256 = arith.constant 0 : i32
      %dma_wait3A_257 = tpu.memref_slice %arg4[%add3A_102, %dma_wait3A_256] : memref<196608x128xf32, #tpu.memory_space<hbm>> -> memref<128x128xf32, #tpu.memory_space<hbm>>
      %dma_wait3A_258 = arith.constant 0 : i32
      %dma_wait3A_259 = tpu.memref_slice %arg4[%add3A_102, %dma_wait3A_258] : memref<196608x128xf32, #tpu.memory_space<hbm>> -> memref<128x128xf32, #tpu.memory_space<hbm>>
      %dma_wait3A_260 = arith.constant 0 : i32
      %dma_wait3A_261 = arith.constant 0 : i32
      %dma_wait3A_262 = tpu.memref_slice %arg6[%dma_wait3A_251, %dma_wait3A_260, %dma_wait3A_261] : memref<6x128x128xf32, #tpu.memory_space<vmem>> -> memref<1x128x128xf32, #tpu.memory_space<vmem>>
      %dma_wait3A_263 = tpu.memref_squeeze %dma_wait3A_262 : memref<1x128x128xf32, #tpu.memory_space<vmem>> -> memref<128x128xf32, #tpu.memory_space<vmem>>
      tpu.wait_dma2 semaphore(%arg8 : memref<!tpu.dma_semaphore, #tpu.memory_space<semaphore_mem>>) src(%dma_wait3A_263 : memref<128x128xf32, #tpu.memory_space<vmem>>) dst(%dma_wait3A_259 : memref<128x128xf32, #tpu.memory_space<hbm>>)
      %dma_wait3A_264 = arith.constant 1 : i32
      %dma_wait3A_265 = arith.constant 0 : i32
      %dma_wait3A_266 = arith.constant 0 : i32
      %dma_wait3A_267 = tpu.memref_slice %arg6[%dma_wait3A_264, %dma_wait3A_265, %dma_wait3A_266] : memref<6x128x128xf32, #tpu.memory_space<vmem>> -> memref<1x128x128xf32, #tpu.memory_space<vmem>>
      %dma_wait3A_268 = tpu.memref_squeeze %dma_wait3A_267 : memref<1x128x128xf32, #tpu.memory_space<vmem>> -> memref<128x128xf32, #tpu.memory_space<vmem>>
      %dma_wait3A_269 = arith.constant 0 : i32
      %dma_wait3A_270 = tpu.memref_slice %arg4[%add3A_129, %dma_wait3A_269] : memref<196608x128xf32, #tpu.memory_space<hbm>> -> memref<128x128xf32, #tpu.memory_space<hbm>>
      %dma_wait3A_271 = arith.constant 0 : i32
      %dma_wait3A_272 = tpu.memref_slice %arg4[%add3A_129, %dma_wait3A_271] : memref<196608x128xf32, #tpu.memory_space<hbm>> -> memref<128x128xf32, #tpu.memory_space<hbm>>
      %dma_wait3A_273 = arith.constant 0 : i32
      %dma_wait3A_274 = arith.constant 0 : i32
      %dma_wait3A_275 = tpu.memref_slice %arg6[%dma_wait3A_264, %dma_wait3A_273, %dma_wait3A_274] : memref<6x128x128xf32, #tpu.memory_space<vmem>> -> memref<1x128x128xf32, #tpu.memory_space<vmem>>
      %dma_wait3A_276 = tpu.memref_squeeze %dma_wait3A_275 : memref<1x128x128xf32, #tpu.memory_space<vmem>> -> memref<128x128xf32, #tpu.memory_space<vmem>>
      tpu.wait_dma2 semaphore(%arg8 : memref<!tpu.dma_semaphore, #tpu.memory_space<semaphore_mem>>) src(%dma_wait3A_276 : memref<128x128xf32, #tpu.memory_space<vmem>>) dst(%dma_wait3A_272 : memref<128x128xf32, #tpu.memory_space<hbm>>)
      %dma_wait3A_277 = arith.constant 2 : i32
      %dma_wait3A_278 = arith.constant 0 : i32
      %dma_wait3A_279 = arith.constant 0 : i32
      %dma_wait3A_280 = tpu.memref_slice %arg6[%dma_wait3A_277, %dma_wait3A_278, %dma_wait3A_279] : memref<6x128x128xf32, #tpu.memory_space<vmem>> -> memref<1x128x128xf32, #tpu.memory_space<vmem>>
      %dma_wait3A_281 = tpu.memref_squeeze %dma_wait3A_280 : memref<1x128x128xf32, #tpu.memory_space<vmem>> -> memref<128x128xf32, #tpu.memory_space<vmem>>
      %dma_wait3A_282 = arith.constant 0 : i32
      %dma_wait3A_283 = tpu.memref_slice %arg4[%add3A_156, %dma_wait3A_282] : memref<196608x128xf32, #tpu.memory_space<hbm>> -> memref<128x128xf32, #tpu.memory_space<hbm>>
      %dma_wait3A_284 = arith.constant 0 : i32
      %dma_wait3A_285 = tpu.memref_slice %arg4[%add3A_156, %dma_wait3A_284] : memref<196608x128xf32, #tpu.memory_space<hbm>> -> memref<128x128xf32, #tpu.memory_space<hbm>>
      %dma_wait3A_286 = arith.constant 0 : i32
      %dma_wait3A_287 = arith.constant 0 : i32
      %dma_wait3A_288 = tpu.memref_slice %arg6[%dma_wait3A_277, %dma_wait3A_286, %dma_wait3A_287] : memref<6x128x128xf32, #tpu.memory_space<vmem>> -> memref<1x128x128xf32, #tpu.memory_space<vmem>>
      %dma_wait3A_289 = tpu.memref_squeeze %dma_wait3A_288 : memref<1x128x128xf32, #tpu.memory_space<vmem>> -> memref<128x128xf32, #tpu.memory_space<vmem>>
      tpu.wait_dma2 semaphore(%arg8 : memref<!tpu.dma_semaphore, #tpu.memory_space<semaphore_mem>>) src(%dma_wait3A_289 : memref<128x128xf32, #tpu.memory_space<vmem>>) dst(%dma_wait3A_285 : memref<128x128xf32, #tpu.memory_space<hbm>>)
      %dma_wait3A_290 = arith.constant 3 : i32
      %dma_wait3A_291 = arith.constant 0 : i32
      %dma_wait3A_292 = arith.constant 0 : i32
      %dma_wait3A_293 = tpu.memref_slice %arg6[%dma_wait3A_290, %dma_wait3A_291, %dma_wait3A_292] : memref<6x128x128xf32, #tpu.memory_space<vmem>> -> memref<1x128x128xf32, #tpu.memory_space<vmem>>
      %dma_wait3A_294 = tpu.memref_squeeze %dma_wait3A_293 : memref<1x128x128xf32, #tpu.memory_space<vmem>> -> memref<128x128xf32, #tpu.memory_space<vmem>>
      %dma_wait3A_295 = arith.constant 0 : i32
      %dma_wait3A_296 = tpu.memref_slice %arg4[%add3A_183, %dma_wait3A_295] : memref<196608x128xf32, #tpu.memory_space<hbm>> -> memref<128x128xf32, #tpu.memory_space<hbm>>
      %dma_wait3A_297 = arith.constant 0 : i32
      %dma_wait3A_298 = tpu.memref_slice %arg4[%add3A_183, %dma_wait3A_297] : memref<196608x128xf32, #tpu.memory_space<hbm>> -> memref<128x128xf32, #tpu.memory_space<hbm>>
      %dma_wait3A_299 = arith.constant 0 : i32
      %dma_wait3A_300 = arith.constant 0 : i32
      %dma_wait3A_301 = tpu.memref_slice %arg6[%dma_wait3A_290, %dma_wait3A_299, %dma_wait3A_300] : memref<6x128x128xf32, #tpu.memory_space<vmem>> -> memref<1x128x128xf32, #tpu.memory_space<vmem>>
      %dma_wait3A_302 = tpu.memref_squeeze %dma_wait3A_301 : memref<1x128x128xf32, #tpu.memory_space<vmem>> -> memref<128x128xf32, #tpu.memory_space<vmem>>
      tpu.wait_dma2 semaphore(%arg8 : memref<!tpu.dma_semaphore, #tpu.memory_space<semaphore_mem>>) src(%dma_wait3A_302 : memref<128x128xf32, #tpu.memory_space<vmem>>) dst(%dma_wait3A_298 : memref<128x128xf32, #tpu.memory_space<hbm>>)
      %dma_wait3A_303 = arith.constant 4 : i32
      %dma_wait3A_304 = arith.constant 0 : i32
      %dma_wait3A_305 = arith.constant 0 : i32
      %dma_wait3A_306 = tpu.memref_slice %arg6[%dma_wait3A_303, %dma_wait3A_304, %dma_wait3A_305] : memref<6x128x128xf32, #tpu.memory_space<vmem>> -> memref<1x128x128xf32, #tpu.memory_space<vmem>>
      %dma_wait3A_307 = tpu.memref_squeeze %dma_wait3A_306 : memref<1x128x128xf32, #tpu.memory_space<vmem>> -> memref<128x128xf32, #tpu.memory_space<vmem>>
      %dma_wait3A_308 = arith.constant 0 : i32
      %dma_wait3A_309 = tpu.memref_slice %arg4[%add3A_210, %dma_wait3A_308] : memref<196608x128xf32, #tpu.memory_space<hbm>> -> memref<128x128xf32, #tpu.memory_space<hbm>>
      %dma_wait3A_310 = arith.constant 0 : i32
      %dma_wait3A_311 = tpu.memref_slice %arg4[%add3A_210, %dma_wait3A_310] : memref<196608x128xf32, #tpu.memory_space<hbm>> -> memref<128x128xf32, #tpu.memory_space<hbm>>
      %dma_wait3A_312 = arith.constant 0 : i32
      %dma_wait3A_313 = arith.constant 0 : i32
      %dma_wait3A_314 = tpu.memref_slice %arg6[%dma_wait3A_303, %dma_wait3A_312, %dma_wait3A_313] : memref<6x128x128xf32, #tpu.memory_space<vmem>> -> memref<1x128x128xf32, #tpu.memory_space<vmem>>
      %dma_wait3A_315 = tpu.memref_squeeze %dma_wait3A_314 : memref<1x128x128xf32, #tpu.memory_space<vmem>> -> memref<128x128xf32, #tpu.memory_space<vmem>>
      tpu.wait_dma2 semaphore(%arg8 : memref<!tpu.dma_semaphore, #tpu.memory_space<semaphore_mem>>) src(%dma_wait3A_315 : memref<128x128xf32, #tpu.memory_space<vmem>>) dst(%dma_wait3A_311 : memref<128x128xf32, #tpu.memory_space<hbm>>)
      %dma_wait3A_316 = arith.constant 5 : i32
      %dma_wait3A_317 = arith.constant 0 : i32
      %dma_wait3A_318 = arith.constant 0 : i32
      %dma_wait3A_319 = tpu.memref_slice %arg6[%dma_wait3A_316, %dma_wait3A_317, %dma_wait3A_318] : memref<6x128x128xf32, #tpu.memory_space<vmem>> -> memref<1x128x128xf32, #tpu.memory_space<vmem>>
      %dma_wait3A_320 = tpu.memref_squeeze %dma_wait3A_319 : memref<1x128x128xf32, #tpu.memory_space<vmem>> -> memref<128x128xf32, #tpu.memory_space<vmem>>
      %dma_wait3A_321 = arith.constant 0 : i32
      %dma_wait3A_322 = tpu.memref_slice %arg4[%add3A_237, %dma_wait3A_321] : memref<196608x128xf32, #tpu.memory_space<hbm>> -> memref<128x128xf32, #tpu.memory_space<hbm>>
      %dma_wait3A_323 = arith.constant 0 : i32
      %dma_wait3A_324 = tpu.memref_slice %arg4[%add3A_237, %dma_wait3A_323] : memref<196608x128xf32, #tpu.memory_space<hbm>> -> memref<128x128xf32, #tpu.memory_space<hbm>>
      %dma_wait3A_325 = arith.constant 0 : i32
      %dma_wait3A_326 = arith.constant 0 : i32
      %dma_wait3A_327 = tpu.memref_slice %arg6[%dma_wait3A_316, %dma_wait3A_325, %dma_wait3A_326] : memref<6x128x128xf32, #tpu.memory_space<vmem>> -> memref<1x128x128xf32, #tpu.memory_space<vmem>>
      %dma_wait3A_328 = tpu.memref_squeeze %dma_wait3A_327 : memref<1x128x128xf32, #tpu.memory_space<vmem>> -> memref<128x128xf32, #tpu.memory_space<vmem>>
      tpu.wait_dma2 semaphore(%arg8 : memref<!tpu.dma_semaphore, #tpu.memory_space<semaphore_mem>>) src(%dma_wait3A_328 : memref<128x128xf32, #tpu.memory_space<vmem>>) dst(%dma_wait3A_324 : memref<128x128xf32, #tpu.memory_space<hbm>>)
    }
    %scan3A_9 = arith.constant 8 : i32
    return
  }
}

module attributes {stable_mosaic.version = 14 : i64} {
  func.func @body(%arg0: i32, %arg1: i32, %arg2: memref<8192x128xf32, #tpu.memory_space<vmem>>, %arg3: memref<128x128xbf16, #tpu.memory_space<vmem>>, %arg4: memref<1x128xf32, #tpu.memory_space<vmem>>, %arg5: memref<1x8192x128xf32, #tpu.memory_space<vmem>>) attributes {dimension_semantics = [#tpu.dimension_semantics<arbitrary>, #tpu.dimension_semantics<arbitrary>], iteration_bounds = array<i64: 14, 2>, scalar_prefetch = 0 : i64, scratch_operands = 0 : i64, tpu.core_type = #tpu.core_type<tc>, window_params = [{transform_indices = @transform_0, window_bounds = array<i64: 8192, 128>}, {pipeline_mode = #tpu.pipeline_mode<synchronous>, transform_indices = @transform_1, window_bounds = array<i64: 128, 128>}, {pipeline_mode = #tpu.pipeline_mode<synchronous>, transform_indices = @transform_2, window_bounds = array<i64: 1, 128>}, {transform_indices = @transform_3, window_bounds = array<i64: 1, 8192, 128>}]} {
    %get3A = arith.constant 0 : index
    %get3A_0 = arith.constant 0 : index
    %get3A_1 = vector.load %arg2[%get3A, %get3A_0] : memref<8192x128xf32, #tpu.memory_space<vmem>>, vector<8192x128xf32>
    %convert_element_type3A = arith.truncf %get3A_1 : vector<8192x128xf32> to vector<8192x128xbf16>
    %get3A_2 = arith.constant 0 : index
    %get3A_3 = arith.constant 0 : index
    %get3A_4 = vector.load %arg3[%get3A_2, %get3A_3] : memref<128x128xbf16, #tpu.memory_space<vmem>>, vector<128x128xbf16>
    %dot_general3A = arith.constant dense<0.000000e+00> : vector<8192x128xf32>
    %dot_general3A_5 = tpu.matmul %convert_element_type3A, %get3A_4, %dot_general3A {dimension_numbers = #tpu.dot_dimension_numbers<[1], [0], [0], [1], [0, 0, 1, 1], [], []>, transpose_lhs_hint = false} : vector<8192x128xbf16>, vector<128x128xbf16>, vector<8192x128xf32> -> vector<8192x128xf32>
    %get3A_6 = arith.constant 0 : index
    %get3A_7 = arith.constant 0 : index
    %get3A_8 = vector.load %arg4[%get3A_6, %get3A_7] : memref<1x128xf32, #tpu.memory_space<vmem>>, vector<1x128xf32>
    %get3A_9 = vector.shape_cast %get3A_8 : vector<1x128xf32> to vector<128xf32>
    %broadcast_in_dim3A = vector.shape_cast %get3A_9 : vector<128xf32> to vector<1x128xf32>
    %add3A = vector.broadcast %broadcast_in_dim3A : vector<1x128xf32> to vector<8192x128xf32>
    %add3A_10 = arith.addf %dot_general3A_5, %add3A : vector<8192x128xf32>
    %max3A = arith.constant 0.000000e+00 : f32
    %max3A_11 = vector.broadcast %max3A : f32 to vector<8192x128xf32>
    %max3A_12 = arith.maximumf %add3A_10, %max3A_11 : vector<8192x128xf32>
    %reshape3A = vector.shape_cast %max3A_12 : vector<8192x128xf32> to vector<1x8192x128xf32>
    %swap3A = arith.constant 0 : index
    %swap3A_13 = arith.constant 0 : index
    %swap3A_14 = arith.constant 0 : index
    %swap3A_15 = vector.load %arg5[%swap3A, %swap3A_13, %swap3A_14] : memref<1x8192x128xf32, #tpu.memory_space<vmem>>, vector<1x8192x128xf32>
    tpu.vector_store %arg5[%swap3A, %swap3A_13, %swap3A_14], %reshape3A {strides = array<i32>} : memref<1x8192x128xf32, #tpu.memory_space<vmem>>, vector<1x8192x128xf32>,
    return
  }
  func.func @transform_0(%arg0: i32, %arg1: i32) -> (i32, i32) {
    %mul3A = arith.constant 2 : i32
    %mul3A_0 = arith.muli %arg0, %mul3A : i32
    %add3A = arith.addi %mul3A_0, %arg1 : i32
    %c0_i32 = arith.constant 0 : i32
    %c0_i32_1 = arith.constant 0 : i32
    return %add3A, %c0_i32 : i32, i32
  }
  func.func @transform_1(%arg0: i32, %arg1: i32) -> (i32, i32) {
    %c0_i32 = arith.constant 0 : i32
    %c0_i32_0 = arith.constant 0 : i32
    %c0_i32_1 = arith.constant 0 : i32
    return %c0_i32, %c0_i32_0 : i32, i32
  }
  func.func @transform_2(%arg0: i32, %arg1: i32) -> (i32, i32) {
    %c0_i32 = arith.constant 0 : i32
    %c0_i32_0 = arith.constant 0 : i32
    %c0_i32_1 = arith.constant 0 : i32
    return %c0_i32, %c0_i32_0 : i32, i32
  }
  func.func @transform_3(%arg0: i32, %arg1: i32) -> (i32, i32, i32) {
    %add3A = arith.constant 0 : i32
    %add3A_0 = arith.addi %arg0, %add3A : i32
    %c0_i32 = arith.constant 0 : i32
    %c0_i32_1 = arith.constant 0 : i32
    return %add3A_0, %arg1, %c0_i32 : i32, i32, i32
  }
}

module attributes {stable_mosaic.version = 14 : i64} {
  func.func @body(%arg0: i32, %arg1: i32, %arg2: memref<8192x128xf32, #tpu.memory_space<vmem>>, %arg3: memref<128x128xbf16, #tpu.memory_space<vmem>>, %arg4: memref<1x128xf32, #tpu.memory_space<vmem>>, %arg5: memref<1x8x128xf32, #tpu.memory_space<vmem>>, %arg6: memref<1x8192x128xf32, #tpu.memory_space<vmem>>) attributes {dimension_semantics = [#tpu.dimension_semantics<arbitrary>, #tpu.dimension_semantics<arbitrary>], iteration_bounds = array<i64: 12, 2>, scalar_prefetch = 0 : i64, scratch_operands = 0 : i64, tpu.core_type = #tpu.core_type<tc>, window_params = [{transform_indices = @transform_0, window_bounds = array<i64: 8192, 128>}, {pipeline_mode = #tpu.pipeline_mode<synchronous>, transform_indices = @transform_1, window_bounds = array<i64: 128, 128>}, {pipeline_mode = #tpu.pipeline_mode<synchronous>, transform_indices = @transform_2, window_bounds = array<i64: 1, 128>}, {transform_indices = @transform_3, window_bounds = array<i64: 1, 8, 128>}, {transform_indices = @transform_4, window_bounds = array<i64: 1, 8192, 128>}]} {
    %get3A = arith.constant 0 : index
    %get3A_0 = arith.constant 0 : index
    %get3A_1 = vector.load %arg2[%get3A, %get3A_0] : memref<8192x128xf32, #tpu.memory_space<vmem>>, vector<8192x128xf32>
    %convert_element_type3A = arith.truncf %get3A_1 : vector<8192x128xf32> to vector<8192x128xbf16>
    %get3A_2 = arith.constant 0 : index
    %get3A_3 = arith.constant 0 : index
    %get3A_4 = vector.load %arg3[%get3A_2, %get3A_3] : memref<128x128xbf16, #tpu.memory_space<vmem>>, vector<128x128xbf16>
    %dot_general3A = arith.constant dense<0.000000e+00> : vector<8192x128xf32>
    %dot_general3A_5 = tpu.matmul %convert_element_type3A, %get3A_4, %dot_general3A {dimension_numbers = #tpu.dot_dimension_numbers<[1], [0], [0], [1], [0, 0, 1, 1], [], []>, transpose_lhs_hint = false} : vector<8192x128xbf16>, vector<128x128xbf16>, vector<8192x128xf32> -> vector<8192x128xf32>
    %get3A_6 = arith.constant 0 : index
    %get3A_7 = arith.constant 0 : index
    %get3A_8 = vector.load %arg4[%get3A_6, %get3A_7] : memref<1x128xf32, #tpu.memory_space<vmem>>, vector<1x128xf32>
    %get3A_9 = vector.shape_cast %get3A_8 : vector<1x128xf32> to vector<128xf32>
    %broadcast_in_dim3A = vector.shape_cast %get3A_9 : vector<128xf32> to vector<1x128xf32>
    %add3A = vector.broadcast %broadcast_in_dim3A : vector<1x128xf32> to vector<8192x128xf32>
    %add3A_10 = arith.addf %dot_general3A_5, %add3A : vector<8192x128xf32>
    %max3A = arith.constant 0.000000e+00 : f32
    %max3A_11 = vector.broadcast %max3A : f32 to vector<8192x128xf32>
    %max3A_12 = arith.maximumf %add3A_10, %max3A_11 : vector<8192x128xf32>
    %reshape3A = vector.shape_cast %max3A_12 : vector<8192x128xf32> to vector<1x8192x128xf32>
    %swap3A = arith.constant 0 : index
    %swap3A_13 = arith.constant 0 : index
    %swap3A_14 = arith.constant 0 : index
    %swap3A_15 = vector.load %arg6[%swap3A, %swap3A_13, %swap3A_14] : memref<1x8192x128xf32, #tpu.memory_space<vmem>>, vector<1x8192x128xf32>
    tpu.vector_store %arg6[%swap3A, %swap3A_13, %swap3A_14], %reshape3A {strides = array<i32>} : memref<1x8192x128xf32, #tpu.memory_space<vmem>>, vector<1x8192x128xf32>,
    return
  }
  func.func @transform_0(%arg0: i32, %arg1: i32) -> (i32, i32) {
    %mul3A = arith.constant 2 : i32
    %mul3A_0 = arith.muli %arg0, %mul3A : i32
    %add3A = arith.addi %mul3A_0, %arg1 : i32
    %c0_i32 = arith.constant 0 : i32
    %c0_i32_1 = arith.constant 0 : i32
    return %add3A, %c0_i32 : i32, i32
  }
  func.func @transform_1(%arg0: i32, %arg1: i32) -> (i32, i32) {
    %c0_i32 = arith.constant 0 : i32
    %c0_i32_0 = arith.constant 0 : i32
    %c0_i32_1 = arith.constant 0 : i32
    return %c0_i32, %c0_i32_0 : i32, i32
  }
  func.func @transform_2(%arg0: i32, %arg1: i32) -> (i32, i32) {
    %c0_i32 = arith.constant 0 : i32
    %c0_i32_0 = arith.constant 0 : i32
    %c0_i32_1 = arith.constant 0 : i32
    return %c0_i32, %c0_i32_0 : i32, i32
  }
  func.func @transform_3(%arg0: i32, %arg1: i32) -> (i32, i32, i32) {
    %c0_i32 = arith.constant 0 : i32
    %c0_i32_0 = arith.constant 0 : i32
    %c0_i32_1 = arith.constant 0 : i32
    %c0_i32_2 = arith.constant 0 : i32
    return %c0_i32, %c0_i32_0, %c0_i32_1 : i32, i32, i32
  }
  func.func @transform_4(%arg0: i32, %arg1: i32) -> (i32, i32, i32) {
    %add3A = arith.constant 14 : i32
    %add3A_0 = arith.addi %arg0, %add3A : i32
    %c0_i32 = arith.constant 0 : i32
    %c0_i32_1 = arith.constant 0 : i32
    return %add3A_0, %arg1, %c0_i32 : i32, i32, i32
  }
}

</mosaic_0001>

<sc_bundles>
// kernel: sc_gather_f0.3.cloned.1.call-start
scs
__scs_entry_jumppad:
0x0: {  	(pc) =	sbr.rel $0x88, $3  }
0x1: {  	(tag) =	ssettag $0x0;
	lr =	simm.s32 $0x1  }
0x2: {  	[smem:$0x3F9D] =	sst lr;
	_ =	strace $0xD0000000  }
0x3: {  	_ = 	snop  }
0x4: {  	_ = 	snop  }
0x5: {  	_ = 	snop  }
0x6: {  	_ = 	snop  }
0x7: {  	_ = 	snop  }
__scs_overlays_trampoline_lowered:
0x8: {  	[smem:$0x3FAC] =	sst s0  }
0x9: {  	[smem:$0x3FAD] =	sst s1  }
0xa: {  	[smem:$0x3FAE] =	sst s2  }
0xb: {  	[smem:$0x3FAF] =	sst s3  }
0xc: {  	[smem:$0x3FB0] =	sst s4  }
0xd: {  	[smem:$0x3FB1] =	sst s5  }
0xe: {  	[smem:$0x3FB2] =	sst s6  }
0xf: {  	[smem:$0x3FB3] =	sst s7  }
0x10: {  	[smem:$0x3FB4] =	sst s8  }
0x11: {  	[smem:$0x3FB5] =	sst s9;
	s0 =	simm.s32 @!p0 $0x0  }
0x12: {  	s1 =	sld [smem:$0x3F9B];
	s0 =	simm.s32 @p0 $0x1  }
0x13: {  	[smem:$0x3FB6] =	sst s0;
	s0 =	simm.s32 @!p1 $0x0  }
0x14: {  	s2 =	sld [smem:$0x3F9A];
	s0 =	simm.s32 @p1 $0x1  }
0x15: {  	[smem:$0x3FB7] =	sst s0;
	s0 =	simm.s32 @!p2 $0x0  }
0x16: {  	s3 =	sld [smem:$0x3FDB];
	s0 =	simm.s32 @p2 $0x1  }
0x17: {  	s4 =	simm.s32 $0x1BF5;
	[smem:$0x3FB9] =	sst s0  }
0x18: {  	s0 =	sld [smem:$0x3F9C];
	_ =	swait.ge [sflag:s4], $0x0  }
0x19: {  	s7 =	sld [smem:$0x3F9D]  }
0x1a: {  	s8 =	sadd.s32 $0xFFFFE003, lr  }
0x1b: {  	s9 =	sadd.s32 $0xFFFFFEF7, lr;
	s5 =	simm.s32 $0xFFFFFFFF;
	p2 =	slt.u32 s8, $0xFFFFF086  }
0x1c: {  	p1 =	slt.u32 s9, $0xF7A;
	s5 =	simm.s32 @!p2 $0x0  }
0x1d: {  	s5 =	simm.s32 @p1 $0x1;
	p0 =	seq.s32 s7, s2  }
0x1e: {  	s7 =	smul.u32 @!p0 $0xF7A, s2;
	p2 =	seq.s32 @!p0 s5, $0x0  }
0x1f: {  	s9 =	smul.u32 $0xF7A, s1;
	s8 =	simm.s32 @!p0 $0x1BF5;
	p2 =	por !p2, p0  }
0x20: {  	[sflag:s8] =	ssyncset.s32 @!p0 $0xFFFFF086;
	s6 =	sadd.s32 @!p0 s3, s7;
	s7 =	simm.s32 @!p0 $0x108  }
0x21: {  	s3 =	sadd.s32 s3, s9;
	s6 =	sadd.s32 @!p0 $0x88, s6;
	s7 =	simm.s32 @p2 $0x1082  }
0x22: {  	[simem:s7], [sflag:s8] =	dma.local @!p0 [hbm:s6], $0xF7A  }
0x23: {  	s9 =	sor.u32 $0xD0000000, s2;
	s6 =	simm.s32 $0x108;
	_ =	swait.ge @!p0 [sflag:s8], $0x0  }
0x24: {  	s3 =	sadd.s32 $0x88, s3;
	s6 =	simm.s32 @!p1 $0x1082;
	[sflag:s4] =	ssyncset.s32 $0xFFFFF086  }
0x25: {  	[simem:s6], [sflag:s4] =	dma.local [hbm:s3], $0xF7A  }
0x26: {  	[smem:$0x3F9D] =	sst s1;
	(tag) =	ssettag s2;
	_ =	strace s9  }
0x27: {  	s1 =	sld [smem:$0x3FAD]  }
0x28: {  	s2 =	sld [smem:$0x3FAE]  }
0x29: {  	s4 =	sld [smem:$0x3FB0]  }
0x2a: {  	p0 =	seq.s32 s5, $0x0;
	s5 =	sld [smem:$0x3FB1]  }
0x2b: {  	s6 =	sld [smem:$0x3FB2]  }
0x2c: {  	s7 =	sld [smem:$0x3FB3]  }
0x2d: {  	s3 =	simm.s32 $0x108;
	s8 =	sld [smem:$0x3FB4]  }
0x2e: {  	s3 =	simm.s32 @!p0 $0x1082;
	s9 =	sld [smem:$0x3FB5]  }
0x2f: {  	lr =	sadd.s32 s0, s3;
	s0 =	sld [smem:$0x3FAC]  }
0x30: {  	s3 =	sld [smem:$0x3FAF]  }
0x31: {  	[smem:$0x3FB8] =	sst s10  }
0x32: {  	s10 =	sld [smem:$0x3FB6];
	_ =	sdelay $0x3  }
0x33: {  	p0 =	seq.s32 s10, $0x1;
	s10 =	sld [smem:$0x3FB8];
	_ =	sdelay $0x3  }
0x34: {  	[smem:$0x3FB8] =	sst s10  }
0x35: {  	s10 =	sld [smem:$0x3FB7];
	_ =	sdelay $0x3  }
0x36: {  	p1 =	seq.s32 s10, $0x1;
	s10 =	sld [smem:$0x3FB8];
	_ =	sdelay $0x3  }
0x37: {  	[smem:$0x3FB8] =	sst s10  }
0x38: {  	s10 =	sld [smem:$0x3FB9]  }
0x39: {  	_ = 	snop;
	(pc) =	sbr.ind lr, $3  }
0x3a: {  	_ = 	snop  }
0x3b: {  	_ = 	snop  }
0x3c: {  	p2 =	seq.s32 s10, $0x1;
	s10 =	sld [smem:$0x3FB8]  }
0x3d: {  	_ =	shalt  }
0x3e: {  	_ =	shalt  }
0x3f: {  	_ =	shalt  }
0x40: {  	_ =	shalt  }
0x41: {  	_ =	shalt  }
0x42: {  	_ =	shalt  }
0x43: {  	_ =	shalt  }
0x44: {  	_ =	shalt  }
0x45: {  	_ =	shalt  }
0x46: {  	_ =	shalt  }
0x47: {  	_ =	shalt  }
0x48: {  	_ =	shalt  }
0x49: {  	_ =	shalt  }
0x4a: {  	_ =	shalt  }
0x4b: {  	_ =	shalt  }
0x4c: {  	_ =	shalt  }
0x4d: {  	_ =	shalt  }
0x4e: {  	_ =	shalt  }
0x4f: {  	_ =	shalt  }
0x50: {  	_ =	shalt  }
0x51: {  	_ =	shalt  }
0x52: {  	_ =	shalt  }
0x53: {  	_ =	shalt  }
0x54: {  	_ =	shalt  }
0x55: {  	_ =	shalt  }
0x56: {  	_ =	shalt  }
0x57: {  	_ =	shalt  }
0x58: {  	_ =	shalt  }
0x59: {  	_ =	shalt  }
0x5a: {  	_ =	shalt  }
0x5b: {  	_ =	shalt  }
0x5c: {  	_ =	shalt  }
0x5d: {  	_ =	shalt  }
0x5e: {  	_ =	shalt  }
0x5f: {  	_ =	shalt  }
0x60: {  	_ =	shalt  }
0x61: {  	_ =	shalt  }
0x62: {  	_ =	shalt  }
0x63: {  	_ =	shalt  }
0x64: {  	_ =	shalt  }
0x65: {  	_ =	shalt  }
0x66: {  	_ =	shalt  }
0x67: {  	_ =	shalt  }
0x68: {  	_ =	shalt  }
0x69: {  	_ =	shalt  }
0x6a: {  	_ =	shalt  }
0x6b: {  	_ =	shalt  }
0x6c: {  	_ =	shalt  }
0x6d: {  	_ =	shalt  }
0x6e: {  	_ =	shalt  }
0x6f: {  	_ =	shalt  }
0x70: {  	_ =	shalt  }
0x71: {  	_ =	shalt  }
0x72: {  	_ =	shalt  }
0x73: {  	_ =	shalt  }
0x74: {  	_ =	shalt  }
0x75: {  	_ =	shalt  }
0x76: {  	_ =	shalt  }
0x77: {  	_ =	shalt  }
0x78: {  	_ =	shalt  }
0x79: {  	_ =	shalt  }
0x7a: {  	_ =	shalt  }
0x7b: {  	_ =	shalt  }
0x7c: {  	_ =	shalt  }
0x7d: {  	_ =	shalt  }
0x7e: {  	_ =	shalt  }
0x7f: {  	_ =	shalt  }
0x80: {  	_ =	shalt  }
0x81: {  	_ =	shalt  }
0x82: {  	_ =	shalt  }
0x83: {  	_ =	shalt  }
0x84: {  	_ =	shalt  }
0x85: {  	_ =	shalt  }
0x86: {  	_ =	shalt  }
0x87: {  	_ =	shalt  }
.Lfunc_end0:
.L_simem_size_0:
called_computation_lowered:
.L_overlay_start_0:
0x88: {  	s2 =	sld [smem:$0x3FD9]  }
0x89: {  	s3 =	sld [smem:$0x3FFE];
	_ =	sdelay $0x1  }
0x8a: {  	s1 =	srdreg.scid  }
0x8b: {  	s0 =	sand.u32 $0x1, s1  }
0x8c: {  	s16 =	sshll.u32 s0, $0xA;
	s2 =	sadd.s32 s3, s2  }
0x8d: {  	s2 =	sadd.s32 s2, s16  }
0x8e: {  	[smem:$0x3FC4] =	sst s2  }
0x8f: {  	_ = 	snop  }
0x90: {  	(tm) =	ssettm $0x1  }
0x91: {  	s17 =	sld [smem:$0x3FFB];
	_ =	sdelay $0x3  }
0x92: {  	_ =	strace s17  }
0x93: {  	s2 =	sld [smem:$0x3FFC];
	_ =	sdelay $0x3  }
0x94: {  	_ =	strace s2  }
0x95: {  	s2 =	sld [smem:$0x3FFD];
	_ =	sdelay $0x3  }
0x96: {  	_ =	strace s2  }
0x97: {  	_ =	strace $0x8FFFFFFF  }
0x98: {  	s18 =	sld [smem:$0x3FDB];
	_ =	sdelay $0x1  }
0x99: {  	s19 =	simm.s32 $_scs_section_size  }
0x9a: {  	s4 =	simm.s32 $_size__tile_overlayer_lowered;
	s5 =	simm.s32 $_tile_overlayer_lowered  }
0x9b: {  	s22 =	simm.s32 $0x1BFF;
	s21 =	sshll.u32 s5, $0x1;
	s2 =	sadd.s32 s19, s18  }
0x9c: {  	s6 =	simm.s32 $0x0;
	s20 =	sshll.u32 s4, $0x1;
	s4 =	sadd.s32 s21, s2  }
0x9d: {  	[timem:s6], [sflag:s22] =	dma.local [hbm:s4], s20  }
0x9e: {  	_ =	swait.ge [sflag:s22], s20  }
0x9f: {  	s3 =	ssub.s32 $0x0, s20;
	[sflag:s22] =	ssyncset.done $0x0  }
0xa0: {  	[sflag:s22] =	ssyncadd.s32 s3;
	_ =	sdelay $0x1  }
0xa1: {  	s23 =	simm.s32 $0x1B8B  }
0xa2: {  	_ =	swait.ge [sflag:s23], $0x1  }
0xa3: {  	[sflag:s23] =	ssyncset.done $0x0  }
0xa4: {  	s25 =	simm.s32 $0x1B8E;
	s24 =	sld [smem:$0x3FFE];
	[sflag:s23] =	ssyncadd.s32 $0xFFFFFFFF  }
0xa5: {  	s26 =	simm.s32 $execute0_lowered;
	[smem:$0x3FD2] =	sst s25  }
0xa6: {  	s4 =	sshll.u32 s26, $0x1;
	_ =	strace $0x80000046;
	[dreg:$0x1] =	wrdreg $0xFFFFFFFF  }
0xa7: {  	s28 =	simm.s32 $_size_execute0_lowered;
	s2 =	sadd.s32 s2, s4;
	[dreg:$0x0] =	wrdreg $0x0  }
0xa8: {  	s4 =	sshll.u32 s28, $0x1;
	[dreg:$0x2] =	wrdreg s2  }
0xa9: {  	[dreg:$0x3] =	wrdreg s4  }
0xaa: {  	[dreg:$0x4] =	wrdreg $0xC0  }
0xab: {  	_ =	task [dreg:s6], $0x5FFFF  }
0xac: {  	[dreg:$0x1] =	wrdreg $0xFFFFFFFF  }
0xad: {  	[dreg:$0x0] =	wrdreg $0x60  }
0xae: {  	[dreg:$0x2] =	wrdreg s24  }
0xaf: {  	[dreg:$0x3] =	wrdreg $0x9  }
0xb0: {  	_ =	task.clear_ibuf [dreg:s6], $0x4FFFF;
	_ =	strace $0x90000046  }
0xb1: {  	s29 =	simm.s32 $0x9;
	_ =	strace $0x80000048  }
0xb2: {  	_ =	swait.ge [sflag:s29], $0x1  }
0xb3: {  	[sflag:s29] =	ssyncadd.s32 $0xFFFFFFFF  }
0xb4: {  	_ =	strace $0x90000048  }
0xb5: {  	_ =	sfence  }
0xb6: {  	s30 =	sld [smem:$0x0];
	_ =	sdelay $0x2  }
0xb7: {  	s31 =	sshll.u32 s1, $0xD;
	s1 =	sshrl.u32 s1, $0x2  }
0xb8: {  	s3 =	sand.u32 $0x4000, s31;
	s1 =	sadd.s32 s1, s30  }
0xb9: {  	s0 =	sor.u32 s3, s0;
	s1 =	sshll.u32 s1, $0x11  }
0xba: {  	s0 =	sor.u32 s1, s0  }
0xbb: {  	s0 =	sadd.s32 $0x8F2B, s0  }
0xbc: {  	[sflag:s0] =	ssyncadd.remote.s32 $0x1  }
0xbd: {  	_ =	sfence.sel $0xFFFF  }
0xbe: {  	[dreg:$0x0] =	wrdreg $0xFFFFFFFF;
	(pc) =	sbr.abs _section_cstart, $3  }
0xbf: {  	[dreg:$0x1] =	wrdreg $0xFFFFFFFF  }
0xc0: {  	_ =	task.clear_ibuf [dreg:s6], $0x2FFFF;
	_ =	strace $0x9FFFFFFF  }
0xc1: {  	(tm) =	ssettm $0x7FFFFFFF  }
tec
execute0_lowered:
.L_overlay_start_1:
0x0: {  	(tag) =	ssettag $0x1  }
0x1: {  	s1 =	srdreg.scid  }
0x2: {  	s0 =	stileid.u32;
	s4 =	rddreg [dreg:$0x0]  }
0x3: {  	s2 =	simm.s32 $0x0;
	s10 =	simm.s32 $0x5C00;
	s11 =	simm.s32 $0x9C00  }
0x4: {  	s12 =	simm.s32 $0xDC00;
	s13 =	simm.s32 $0x11C00;
	s14 =	simm.s32 $0x15C00  }
0x5: {  	s15 =	simm.s32 $0x19C00;
	s16 =	simm.s32 $0x1;
	s17 =	simm.s32 $0x2  }
0x6: {  	s18 =	simm.s32 $0x0;
	s5 =	sand.u32 $0x1, s1;
	s1 =	rddreg [dreg:$0x1]  }
0x7: {  	s3 =	sshll.u32 s0, $0x1;
	[smem:$0x7FF] =	sst s2;
	s7 =	smul.u32 $0x38000, s0  }
0x8: {  	s3 =	sor.u32 s5, s3;
	s8 =	ssub.s32 $0x2, s5;
	s5 =	smul.u32 $0x1C000, s5  }
0x9: {  	_ =	strace $0x80000047;
	s6 =	smul.u32 $0x1C00, s3;
	s9 =	sshrl.u32 s8, $0x1  }
0xa: {  	s3 =	sadd.s32 $0xDC00, s4;
	s7 =	sadd.s32 s7, s4;
	s31 =	ssub.s32 s8, s9  }
0xb: {  	s7 =	sadd.s32 s5, s7;
	s8 =	simm.s32 $0x80;
	s6 =	sshrl.u32 s6, $0x3  }
0xc: {  	s9 =	simm.s32 $0x1C00;
	s5 =	smax.u32 s31, $0x1;
	s4 =	sadd.s32 s6, s4  }
0xd: {  	s6 =	sadd.s32 $0x197600, s7;
	s7 =	simm.s32 $0x3;
	s4 =	sadd.s32 $0xC00, s4  }
.LBB2_1:
0xe: {  	[tilespmem:s2], [sflag:$0x3] =	stream.linear.gather [hbm4b:s4+s2], $0x1C00, $0x38;
	[tilespmem:$0x1DC00] =	vst v63  }
0xf: {  	_ =	swait.ge [sflag:s7], $0x1C00  }
0x10: {  	[sflag:s7] =	ssyncset.done $0x0  }
0x11: {  	s19 =	simm.s32 $0x0;
	[sflag:s7] =	ssyncadd.s32 $0xFFFFE400  }
0x12: {  	[tilespmem:s9], [sflag:$0x1] =	stream.indirect.gather [hbm4b:s3+s8], $0x80, s19, s8, $0xb8;
	[tilespmem:$0x1DC00] =	vst v63  }
0x13: {  	s31 =	simm.s32 $0x80  }
0x14: {  	[tilespmem:s10], [sflag:$0x1] =	stream.indirect.gather [hbm4b:s3+s8], $0x80, s31, s8, $0xb8;
	[tilespmem:$0x1DC00] =	vst v63  }
0x15: {  	s20 =	simm.s32 $0x100  }
0x16: {  	[tilespmem:s11], [sflag:$0x1] =	stream.indirect.gather [hbm4b:s3+s8], $0x80, s20, s8, $0xb8;
	[tilespmem:$0x1DC00] =	vst v63  }
0x17: {  	s21 =	simm.s32 $0x180  }
0x18: {  	[tilespmem:s12], [sflag:$0x1] =	stream.indirect.gather [hbm4b:s3+s8], $0x80, s21, s8, $0xb8;
	[tilespmem:$0x1DC00] =	vst v63  }
0x19: {  	s22 =	simm.s32 $0x200  }
0x1a: {  	[tilespmem:s13], [sflag:$0x1] =	stream.indirect.gather [hbm4b:s3+s8], $0x80, s22, s8, $0xb8;
	[tilespmem:$0x1DC00] =	vst v63  }
0x1b: {  	s23 =	simm.s32 $0x280  }
0x1c: {  	[tilespmem:s14], [sflag:$0x1] =	stream.indirect.gather [hbm4b:s3+s8], $0x80, s23, s8, $0xb8;
	[tilespmem:$0x1DC00] =	vst v63  }
0x1d: {  	s24 =	simm.s32 $0x300  }
0x1e: {  	[tilespmem:s15], [sflag:$0x1] =	stream.indirect.gather [hbm4b:s3+s8], $0x80, s24, s8, $0xb8;
	[tilespmem:$0x1DC00] =	vst v63  }
0x1f: {  	_ =	swait.ge [sflag:s16], $0x4000  }
0x20: {  	[sflag:s16] =	ssyncset.done $0x0  }
0x21: {  	s25 =	sadd.s32 $0xFFFFD000, s6;
	[sflag:s16] =	ssyncadd.s32 $0xFFFFC000  }
0x22: {  	[hbm4b:s25+s2] =	stream.linear.scatter [tilespmem:s9], [sflag:$0x2], $0x4000, $0x38;
	[tilespmem:$0x1DC00] =	vst v63  }
0x23: {  	_ =	swait.ge [sflag:s16], $0x4000  }
0x24: {  	[sflag:s16] =	ssyncset.done $0x0  }
0x25: {  	s26 =	sadd.s32 $0xFFFFD800, s6;
	[sflag:s16] =	ssyncadd.s32 $0xFFFFC000  }
0x26: {  	[hbm4b:s26+s2] =	stream.linear.scatter [tilespmem:s10], [sflag:$0x2], $0x4000, $0x38;
	[tilespmem:$0x1DC00] =	vst v63  }
0x27: {  	_ =	swait.ge [sflag:s16], $0x4000  }
0x28: {  	[sflag:s16] =	ssyncset.done $0x0  }
0x29: {  	s28 =	sadd.s32 $0xFFFFE000, s6;
	[sflag:s16] =	ssyncadd.s32 $0xFFFFC000  }
0x2a: {  	[hbm4b:s28+s2] =	stream.linear.scatter [tilespmem:s11], [sflag:$0x2], $0x4000, $0x38;
	[tilespmem:$0x1DC00] =	vst v63  }
0x2b: {  	_ =	swait.ge [sflag:s16], $0x4000  }
0x2c: {  	[sflag:s16] =	ssyncset.done $0x0  }
0x2d: {  	s29 =	sadd.s32 $0xFFFFE800, s6;
	[sflag:s16] =	ssyncadd.s32 $0xFFFFC000  }
0x2e: {  	[hbm4b:s29+s2] =	stream.linear.scatter [tilespmem:s12], [sflag:$0x2], $0x4000, $0x38;
	[tilespmem:$0x1DC00] =	vst v63  }
0x2f: {  	_ =	swait.ge [sflag:s16], $0x4000  }
0x30: {  	[sflag:s16] =	ssyncset.done $0x0  }
0x31: {  	s30 =	sadd.s32 $0xFFFFF000, s6;
	[sflag:s16] =	ssyncadd.s32 $0xFFFFC000  }
0x32: {  	[hbm4b:s30+s2] =	stream.linear.scatter [tilespmem:s13], [sflag:$0x2], $0x4000, $0x38;
	[tilespmem:$0x1DC00] =	vst v63  }
0x33: {  	_ =	swait.ge [sflag:s16], $0x4000  }
0x34: {  	[sflag:s16] =	ssyncset.done $0x0  }
0x35: {  	s31 =	sadd.s32 $0xFFFFF800, s6;
	[sflag:s16] =	ssyncadd.s32 $0xFFFFC000  }
0x36: {  	[hbm4b:s31+s2] =	stream.linear.scatter [tilespmem:s14], [sflag:$0x2], $0x4000, $0x38;
	[tilespmem:$0x1DC00] =	vst v63  }
0x37: {  	_ =	swait.ge [sflag:s16], $0x4000  }
0x38: {  	[sflag:s16] =	ssyncset.done $0x0  }
0x39: {  	[sflag:s16] =	ssyncadd.s32 $0xFFFFC000  }
0x3a: {  	[hbm4b:s6+s2] =	stream.linear.scatter [tilespmem:s15], [sflag:$0x2], $0x4000, $0x38;
	[tilespmem:$0x1DC00] =	vst v63  }
0x3b: {  	_ =	swait.ge [sflag:s17], $0x4000  }
0x3c: {  	[sflag:s17] =	ssyncset.done $0x0  }
0x3d: {  	[sflag:s17] =	ssyncadd.s32 $0xFFFFC000  }
0x3e: {  	_ =	swait.ge [sflag:s17], $0x4000  }
0x3f: {  	[sflag:s17] =	ssyncset.done $0x0  }
0x40: {  	[sflag:s17] =	ssyncadd.s32 $0xFFFFC000  }
0x41: {  	_ =	swait.ge [sflag:s17], $0x4000  }
0x42: {  	[sflag:s17] =	ssyncset.done $0x0  }
0x43: {  	[sflag:s17] =	ssyncadd.s32 $0xFFFFC000  }
0x44: {  	_ =	swait.ge [sflag:s17], $0x4000  }
0x45: {  	[sflag:s17] =	ssyncset.done $0x0  }
0x46: {  	[sflag:s17] =	ssyncadd.s32 $0xFFFFC000  }
0x47: {  	_ =	swait.ge [sflag:s17], $0x4000  }
0x48: {  	[sflag:s17] =	ssyncset.done $0x0  }
0x49: {  	[sflag:s17] =	ssyncadd.s32 $0xFFFFC000  }
0x4a: {  	_ =	swait.ge [sflag:s17], $0x4000  }
0x4b: {  	[sflag:s17] =	ssyncset.done $0x0  }
0x4c: {  	[sflag:s17] =	ssyncadd.s32 $0xFFFFC000  }
0x4d: {  	s19 =	sadd.s32 $0x3800, s6;
	_ =	swait.ge [sflag:s17], $0x4000  }
0x4e: {  	s20 =	simm.s32 $0xE00;
	s22 =	simm.s32 $0x1C00;
	[sflag:s17] =	ssyncset.done $0x0  }
.LBB2_2:
0x4f: {  	s23 =	sshra.s32 s20, $0x2  }
0x50: {  	[sflag:s17] =	ssyncadd.s32 $0xFFFFC000;
	s20 =	smov.u32 s22;
	s21 =	sadd.s32 $0xE00, s22  }
0x51: {  	[tilespmem:s9], [sflag:$0x1] =	stream.indirect.gather [hbm4b:s3+s8], $0x80, s23, s8, $0xb8;
	[tilespmem:$0x1DC00] =	vst v63  }
0x52: {  	p0 =	sne.s32 s22, $0x6200;
	s22 =	sadd.s32 $0x80, s23  }
0x53: {  	[tilespmem:s10], [sflag:$0x1] =	stream.indirect.gather [hbm4b:s3+s8], $0x80, s22, s8, $0xb8;
	[tilespmem:$0x1DC00] =	vst v63  }
0x54: {  	s22 =	sadd.s32 $0x100, s23  }
0x55: {  	[tilespmem:s11], [sflag:$0x1] =	stream.indirect.gather [hbm4b:s3+s8], $0x80, s22, s8, $0xb8;
	[tilespmem:$0x1DC00] =	vst v63  }
0x56: {  	s22 =	sadd.s32 $0x180, s23  }
0x57: {  	[tilespmem:s12], [sflag:$0x1] =	stream.indirect.gather [hbm4b:s3+s8], $0x80, s22, s8, $0xb8;
	[tilespmem:$0x1DC00] =	vst v63  }
0x58: {  	s22 =	sadd.s32 $0x200, s23  }
0x59: {  	[tilespmem:s13], [sflag:$0x1] =	stream.indirect.gather [hbm4b:s3+s8], $0x80, s22, s8, $0xb8;
	[tilespmem:$0x1DC00] =	vst v63  }
0x5a: {  	s22 =	sadd.s32 $0x280, s23  }
0x5b: {  	[tilespmem:s14], [sflag:$0x1] =	stream.indirect.gather [hbm4b:s3+s8], $0x80, s22, s8, $0xb8;
	[tilespmem:$0x1DC00] =	vst v63  }
0x5c: {  	s22 =	sadd.s32 $0x300, s23  }
0x5d: {  	[tilespmem:s15], [sflag:$0x1] =	stream.indirect.gather [hbm4b:s3+s8], $0x80, s22, s8, $0xb8;
	[tilespmem:$0x1DC00] =	vst v63  }
0x5e: {  	_ =	swait.ge [sflag:s16], $0x4000  }
0x5f: {  	[sflag:s16] =	ssyncset.done $0x0  }
0x60: {  	s22 =	sadd.s32 $0xFFFFD000, s19;
	[sflag:s16] =	ssyncadd.s32 $0xFFFFC000  }
0x61: {  	[hbm4b:s22+s2] =	stream.linear.scatter [tilespmem:s9], [sflag:$0x2], $0x4000, $0x38;
	[tilespmem:$0x1DC00] =	vst v63  }
0x62: {  	_ =	swait.ge [sflag:s16], $0x4000  }
0x63: {  	[sflag:s16] =	ssyncset.done $0x0  }
0x64: {  	s22 =	sadd.s32 $0xFFFFD800, s19;
	[sflag:s16] =	ssyncadd.s32 $0xFFFFC000  }
0x65: {  	[hbm4b:s22+s2] =	stream.linear.scatter [tilespmem:s10], [sflag:$0x2], $0x4000, $0x38;
	[tilespmem:$0x1DC00] =	vst v63  }
0x66: {  	_ =	swait.ge [sflag:s16], $0x4000  }
0x67: {  	[sflag:s16] =	ssyncset.done $0x0  }
0x68: {  	s22 =	sadd.s32 $0xFFFFE000, s19;
	[sflag:s16] =	ssyncadd.s32 $0xFFFFC000  }
0x69: {  	[hbm4b:s22+s2] =	stream.linear.scatter [tilespmem:s11], [sflag:$0x2], $0x4000, $0x38;
	[tilespmem:$0x1DC00] =	vst v63  }
0x6a: {  	_ =	swait.ge [sflag:s16], $0x4000  }
0x6b: {  	[sflag:s16] =	ssyncset.done $0x0  }
0x6c: {  	s22 =	sadd.s32 $0xFFFFE800, s19;
	[sflag:s16] =	ssyncadd.s32 $0xFFFFC000  }
0x6d: {  	[hbm4b:s22+s2] =	stream.linear.scatter [tilespmem:s12], [sflag:$0x2], $0x4000, $0x38;
	[tilespmem:$0x1DC00] =	vst v63  }
0x6e: {  	_ =	swait.ge [sflag:s16], $0x4000  }
0x6f: {  	[sflag:s16] =	ssyncset.done $0x0  }
0x70: {  	s22 =	sadd.s32 $0xFFFFF000, s19;
	[sflag:s16] =	ssyncadd.s32 $0xFFFFC000  }
0x71: {  	[hbm4b:s22+s2] =	stream.linear.scatter [tilespmem:s13], [sflag:$0x2], $0x4000, $0x38;
	[tilespmem:$0x1DC00] =	vst v63  }
0x72: {  	_ =	swait.ge [sflag:s16], $0x4000  }
0x73: {  	[sflag:s16] =	ssyncset.done $0x0  }
0x74: {  	s22 =	sadd.s32 $0xFFFFF800, s19;
	[sflag:s16] =	ssyncadd.s32 $0xFFFFC000  }
0x75: {  	[hbm4b:s22+s2] =	stream.linear.scatter [tilespmem:s14], [sflag:$0x2], $0x4000, $0x38;
	[tilespmem:$0x1DC00] =	vst v63  }
0x76: {  	_ =	swait.ge [sflag:s16], $0x4000  }
0x77: {  	[sflag:s16] =	ssyncset.done $0x0  }
0x78: {  	[sflag:s16] =	ssyncadd.s32 $0xFFFFC000  }
0x79: {  	[hbm4b:s19+s2] =	stream.linear.scatter [tilespmem:s15], [sflag:$0x2], $0x4000, $0x38;
	[tilespmem:$0x1DC00] =	vst v63  }
0x7a: {  	_ =	swait.ge [sflag:s17], $0x4000  }
0x7b: {  	[sflag:s17] =	ssyncset.done $0x0  }
0x7c: {  	[sflag:s17] =	ssyncadd.s32 $0xFFFFC000  }
0x7d: {  	_ =	swait.ge [sflag:s17], $0x4000  }
0x7e: {  	[sflag:s17] =	ssyncset.done $0x0  }
0x7f: {  	[sflag:s17] =	ssyncadd.s32 $0xFFFFC000  }
0x80: {  	_ =	swait.ge [sflag:s17], $0x4000  }
0x81: {  	[sflag:s17] =	ssyncset.done $0x0  }
0x82: {  	[sflag:s17] =	ssyncadd.s32 $0xFFFFC000  }
0x83: {  	_ =	swait.ge [sflag:s17], $0x4000  }
0x84: {  	[sflag:s17] =	ssyncset.done $0x0  }
0x85: {  	[sflag:s17] =	ssyncadd.s32 $0xFFFFC000  }
0x86: {  	_ =	swait.ge [sflag:s17], $0x4000  }
0x87: {  	[sflag:s17] =	ssyncset.done $0x0  }
0x88: {  	[sflag:s17] =	ssyncadd.s32 $0xFFFFC000  }
.Ltmp0:
0x89: {  	_ =	swait.ge [sflag:s17], $0x4000;
	(pc) =	sbr.rel @p0 .LBB2_2-.Ltmp0, $4  }
0x8a: {  	[sflag:s17] =	ssyncset.done $0x0  }
0x8b: {  	[sflag:s17] =	ssyncadd.s32 $0xFFFFC000  }
0x8c: {  	_ =	swait.ge [sflag:s17], $0x4000  }
0x8d: {  	s22 =	smov.u32 s21;
	s19 =	sadd.s32 $0x3800, s19;
	[sflag:s17] =	ssyncset.done $0x0  }
0x8e: {  	s20 =	sshra.s32 s20, $0x2;
	[sflag:s17] =	ssyncadd.s32 $0xFFFFC000  }
0x8f: {  	[tilespmem:s9], [sflag:$0x1] =	stream.indirect.gather [hbm4b:s3+s8], $0x80, s20, s8, $0xb8;
	[tilespmem:$0x1DC00] =	vst v63  }
0x90: {  	s21 =	sadd.s32 $0x80, s20  }
0x91: {  	[tilespmem:s10], [sflag:$0x1] =	stream.indirect.gather [hbm4b:s3+s8], $0x80, s21, s8, $0xb8;
	[tilespmem:$0x1DC00] =	vst v63  }
0x92: {  	s31 =	sadd.s32 $0x100, s20  }
0x93: {  	[tilespmem:s11], [sflag:$0x1] =	stream.indirect.gather [hbm4b:s3+s8], $0x80, s31, s8, $0xb8;
	[tilespmem:$0x1DC00] =	vst v63  }
0x94: {  	s22 =	sadd.s32 $0x180, s20  }
0x95: {  	[tilespmem:s12], [sflag:$0x1] =	stream.indirect.gather [hbm4b:s3+s8], $0x80, s22, s8, $0xb8;
	[tilespmem:$0x1DC00] =	vst v63  }
0x96: {  	s23 =	sadd.s32 $0x200, s20  }
0x97: {  	[tilespmem:s13], [sflag:$0x1] =	stream.indirect.gather [hbm4b:s3+s8], $0x80, s23, s8, $0xb8;
	[tilespmem:$0x1DC00] =	vst v63  }
0x98: {  	s24 =	sadd.s32 $0x280, s20  }
0x99: {  	[tilespmem:s14], [sflag:$0x1] =	stream.indirect.gather [hbm4b:s3+s8], $0x80, s24, s8, $0xb8;
	[tilespmem:$0x1DC00] =	vst v63  }
0x9a: {  	s20 =	sadd.s32 $0x300, s20  }
0x9b: {  	[tilespmem:s15], [sflag:$0x1] =	stream.indirect.gather [hbm4b:s3+s8], $0x80, s20, s8, $0xb8;
	[tilespmem:$0x1DC00] =	vst v63  }
0x9c: {  	_ =	swait.ge [sflag:s16], $0x4000  }
0x9d: {  	[sflag:s16] =	ssyncset.done $0x0  }
0x9e: {  	s25 =	sadd.s32 $0xFFFFD000, s19;
	[sflag:s16] =	ssyncadd.s32 $0xFFFFC000  }
0x9f: {  	[hbm4b:s25+s2] =	stream.linear.scatter [tilespmem:s9], [sflag:$0x2], $0x4000, $0x38;
	[tilespmem:$0x1DC00] =	vst v63  }
0xa0: {  	_ =	swait.ge [sflag:s16], $0x4000  }
0xa1: {  	[sflag:s16] =	ssyncset.done $0x0  }
0xa2: {  	s26 =	sadd.s32 $0xFFFFD800, s19;
	[sflag:s16] =	ssyncadd.s32 $0xFFFFC000  }
0xa3: {  	[hbm4b:s26+s2] =	stream.linear.scatter [tilespmem:s10], [sflag:$0x2], $0x4000, $0x38;
	[tilespmem:$0x1DC00] =	vst v63  }
0xa4: {  	_ =	swait.ge [sflag:s16], $0x4000  }
0xa5: {  	[sflag:s16] =	ssyncset.done $0x0  }
0xa6: {  	s28 =	sadd.s32 $0xFFFFE000, s19;
	[sflag:s16] =	ssyncadd.s32 $0xFFFFC000  }
0xa7: {  	[hbm4b:s28+s2] =	stream.linear.scatter [tilespmem:s11], [sflag:$0x2], $0x4000, $0x38;
	[tilespmem:$0x1DC00] =	vst v63  }
0xa8: {  	_ =	swait.ge [sflag:s16], $0x4000  }
0xa9: {  	[sflag:s16] =	ssyncset.done $0x0  }
0xaa: {  	s29 =	sadd.s32 $0xFFFFE800, s19;
	[sflag:s16] =	ssyncadd.s32 $0xFFFFC000  }
0xab: {  	[hbm4b:s29+s2] =	stream.linear.scatter [tilespmem:s12], [sflag:$0x2], $0x4000, $0x38;
	[tilespmem:$0x1DC00] =	vst v63  }
0xac: {  	_ =	swait.ge [sflag:s16], $0x4000  }
0xad: {  	[sflag:s16] =	ssyncset.done $0x0  }
0xae: {  	s30 =	sadd.s32 $0xFFFFF000, s19;
	[sflag:s16] =	ssyncadd.s32 $0xFFFFC000  }
0xaf: {  	[hbm4b:s30+s2] =	stream.linear.scatter [tilespmem:s13], [sflag:$0x2], $0x4000, $0x38;
	[tilespmem:$0x1DC00] =	vst v63  }
0xb0: {  	_ =	swait.ge [sflag:s16], $0x4000  }
0xb1: {  	[sflag:s16] =	ssyncset.done $0x0  }
0xb2: {  	s31 =	sadd.s32 $0xFFFFF800, s19;
	[sflag:s16] =	ssyncadd.s32 $0xFFFFC000  }
0xb3: {  	[hbm4b:s31+s2] =	stream.linear.scatter [tilespmem:s14], [sflag:$0x2], $0x4000, $0x38;
	[tilespmem:$0x1DC00] =	vst v63  }
0xb4: {  	_ =	swait.ge [sflag:s16], $0x4000  }
0xb5: {  	[sflag:s16] =	ssyncset.done $0x0  }
0xb6: {  	[sflag:s16] =	ssyncadd.s32 $0xFFFFC000  }
0xb7: {  	[hbm4b:s19+s2] =	stream.linear.scatter [tilespmem:s15], [sflag:$0x2], $0x4000, $0x38;
	[tilespmem:$0x1DC00] =	vst v63  }
0xb8: {  	_ =	swait.ge [sflag:s17], $0x4000  }
0xb9: {  	[sflag:s17] =	ssyncset.done $0x0  }
0xba: {  	[sflag:s17] =	ssyncadd.s32 $0xFFFFC000  }
0xbb: {  	_ =	swait.ge [sflag:s17], $0x4000  }
0xbc: {  	[sflag:s17] =	ssyncset.done $0x0  }
0xbd: {  	[sflag:s17] =	ssyncadd.s32 $0xFFFFC000  }
0xbe: {  	_ =	swait.ge [sflag:s17], $0x4000  }
0xbf: {  	[sflag:s17] =	ssyncset.done $0x0  }
0xc0: {  	[sflag:s17] =	ssyncadd.s32 $0xFFFFC000  }
0xc1: {  	_ =	swait.ge [sflag:s17], $0x4000  }
0xc2: {  	[sflag:s17] =	ssyncset.done $0x0  }
0xc3: {  	[sflag:s17] =	ssyncadd.s32 $0xFFFFC000  }
0xc4: {  	_ =	swait.ge [sflag:s17], $0x4000  }
0xc5: {  	[sflag:s17] =	ssyncset.done $0x0  }
0xc6: {  	s18 =	sadd.s32 $0x1, s18;
	[sflag:s17] =	ssyncadd.s32 $0xFFFFC000  }
0xc7: {  	p0 =	sne.s32 s18, s5;
	_ =	swait.ge [sflag:s17], $0x4000  }
.Ltmp1:
0xc8: {  	[sflag:s17] =	ssyncset.done $0x0;
	(pc) =	sbr.rel @p0 .LBB2_1-.Ltmp1, $4  }
0xc9: {  	[sflag:s17] =	ssyncadd.s32 $0xFFFFC000  }
0xca: {  	_ =	swait.ge [sflag:s17], $0x4000  }
0xcb: {  	[sflag:s17] =	ssyncset.done $0x0  }
0xcc: {  	[sflag:s17] =	ssyncadd.s32 $0xFFFFC000  }
0xcd: {  	_ =	sfence.sel $0x180000  }
0xce: {  	[bflag:$0x0] =	sbarrier.arrive $0xFFFF  }
0xcf: {  	p0 =	sne.s32 s0, $0x0;
	_ =	strace $0x90000047  }
0xd0: {  	s0 =	sadd.s32 @!p0 $0x100000, s1;
	[bflag:$0x2] =	sbarrier.arrive $0xFFFF  }
0xd1: {  	[sflag:s0] =	ssyncadd.tile.s32 @!p0 $0x1;
	_ =	shalt  }
.Lfunc_end2:
_tile_overlayer_lowered:
.L_overlay_start_2:
0xd2: {  	(tag) =	ssettag $0x2  }
0xd3: {  	s0 =	rddreg [dreg:$0x0];
	s2 =	stileid.u32  }
0xd4: {  	s1 =	rddreg [dreg:$0x1];
	p0 =	sne.s32 s2, $0x0  }
0xd5: {  	s3 =	rddreg [dreg:$0x2];
	[bflag:$0x3] =	sbarrier.arrive $0xFFFF;
	s2 =	simm.s32 @!p0 $0x1C03  }
0xd6: {  	[timem:s3], [sflag:s2] =	dma.local @!p0 [hbm:s0], s1  }
0xd7: {  	s0 =	simm.s32 @!p0 $0x3  }
0xd8: {  	_ =	swait.ge @!p0 [sflag:s0], s1  }
0xd9: {  	s1 =	ssub.s32 @!p0 $0x0, s1;
	[sflag:s0] =	ssyncset.done @!p0 $0x0  }
0xda: {  	[sflag:s0] =	ssyncadd.s32 @!p0 s1  }
0xdb: {  	[bflag:$0x3] =	sbarrier.arrive $0xFFFF  }
0xdc: {  	_ =	shalt  }

// kernel: sc_gather_f14.3.cloned.1.call-start
scs
__scs_entry_jumppad:
0x0: {  	(pc) =	sbr.rel $0x88, $3  }
0x1: {  	(tag) =	ssettag $0x0;
	lr =	simm.s32 $0x1  }
0x2: {  	[smem:$0x3F9D] =	sst lr;
	_ =	strace $0xD0000000  }
0x3: {  	_ = 	snop  }
0x4: {  	_ = 	snop  }
0x5: {  	_ = 	snop  }
0x6: {  	_ = 	snop  }
0x7: {  	_ = 	snop  }
__scs_overlays_trampoline_lowered:
0x8: {  	[smem:$0x3FAC] =	sst s0  }
0x9: {  	[smem:$0x3FAD] =	sst s1  }
0xa: {  	[smem:$0x3FAE] =	sst s2  }
0xb: {  	[smem:$0x3FAF] =	sst s3  }
0xc: {  	[smem:$0x3FB0] =	sst s4  }
0xd: {  	[smem:$0x3FB1] =	sst s5  }
0xe: {  	[smem:$0x3FB2] =	sst s6  }
0xf: {  	[smem:$0x3FB3] =	sst s7  }
0x10: {  	[smem:$0x3FB4] =	sst s8  }
0x11: {  	[smem:$0x3FB5] =	sst s9;
	s0 =	simm.s32 @!p0 $0x0  }
0x12: {  	s1 =	sld [smem:$0x3F9B];
	s0 =	simm.s32 @p0 $0x1  }
0x13: {  	[smem:$0x3FB6] =	sst s0;
	s0 =	simm.s32 @!p1 $0x0  }
0x14: {  	s2 =	sld [smem:$0x3F9A];
	s0 =	simm.s32 @p1 $0x1  }
0x15: {  	[smem:$0x3FB7] =	sst s0;
	s0 =	simm.s32 @!p2 $0x0  }
0x16: {  	s3 =	sld [smem:$0x3FDB];
	s0 =	simm.s32 @p2 $0x1  }
0x17: {  	s4 =	simm.s32 $0x1BF5;
	[smem:$0x3FB9] =	sst s0  }
0x18: {  	s0 =	sld [smem:$0x3F9C];
	_ =	swait.ge [sflag:s4], $0x0  }
0x19: {  	s7 =	sld [smem:$0x3F9D]  }
0x1a: {  	s8 =	sadd.s32 $0xFFFFE003, lr  }
0x1b: {  	s9 =	sadd.s32 $0xFFFFFEF7, lr;
	s5 =	simm.s32 $0xFFFFFFFF;
	p2 =	slt.u32 s8, $0xFFFFF086  }
0x1c: {  	p1 =	slt.u32 s9, $0xF7A;
	s5 =	simm.s32 @!p2 $0x0  }
0x1d: {  	s5 =	simm.s32 @p1 $0x1;
	p0 =	seq.s32 s7, s2  }
0x1e: {  	s7 =	smul.u32 @!p0 $0xF7A, s2;
	p2 =	seq.s32 @!p0 s5, $0x0  }
0x1f: {  	s9 =	smul.u32 $0xF7A, s1;
	s8 =	simm.s32 @!p0 $0x1BF5;
	p2 =	por !p2, p0  }
0x20: {  	[sflag:s8] =	ssyncset.s32 @!p0 $0xFFFFF086;
	s6 =	sadd.s32 @!p0 s3, s7;
	s7 =	simm.s32 @!p0 $0x108  }
0x21: {  	s3 =	sadd.s32 s3, s9;
	s6 =	sadd.s32 @!p0 $0x88, s6;
	s7 =	simm.s32 @p2 $0x1082  }
0x22: {  	[simem:s7], [sflag:s8] =	dma.local @!p0 [hbm:s6], $0xF7A  }
0x23: {  	s9 =	sor.u32 $0xD0000000, s2;
	s6 =	simm.s32 $0x108;
	_ =	swait.ge @!p0 [sflag:s8], $0x0  }
0x24: {  	s3 =	sadd.s32 $0x88, s3;
	s6 =	simm.s32 @!p1 $0x1082;
	[sflag:s4] =	ssyncset.s32 $0xFFFFF086  }
0x25: {  	[simem:s6], [sflag:s4] =	dma.local [hbm:s3], $0xF7A  }
0x26: {  	[smem:$0x3F9D] =	sst s1;
	(tag) =	ssettag s2;
	_ =	strace s9  }
0x27: {  	s1 =	sld [smem:$0x3FAD]  }
0x28: {  	s2 =	sld [smem:$0x3FAE]  }
0x29: {  	s4 =	sld [smem:$0x3FB0]  }
0x2a: {  	p0 =	seq.s32 s5, $0x0;
	s5 =	sld [smem:$0x3FB1]  }
0x2b: {  	s6 =	sld [smem:$0x3FB2]  }
0x2c: {  	s7 =	sld [smem:$0x3FB3]  }
0x2d: {  	s3 =	simm.s32 $0x108;
	s8 =	sld [smem:$0x3FB4]  }
0x2e: {  	s3 =	simm.s32 @!p0 $0x1082;
	s9 =	sld [smem:$0x3FB5]  }
0x2f: {  	lr =	sadd.s32 s0, s3;
	s0 =	sld [smem:$0x3FAC]  }
0x30: {  	s3 =	sld [smem:$0x3FAF]  }
0x31: {  	[smem:$0x3FB8] =	sst s10  }
0x32: {  	s10 =	sld [smem:$0x3FB6];
	_ =	sdelay $0x3  }
0x33: {  	p0 =	seq.s32 s10, $0x1;
	s10 =	sld [smem:$0x3FB8];
	_ =	sdelay $0x3  }
0x34: {  	[smem:$0x3FB8] =	sst s10  }
0x35: {  	s10 =	sld [smem:$0x3FB7];
	_ =	sdelay $0x3  }
0x36: {  	p1 =	seq.s32 s10, $0x1;
	s10 =	sld [smem:$0x3FB8];
	_ =	sdelay $0x3  }
0x37: {  	[smem:$0x3FB8] =	sst s10  }
0x38: {  	s10 =	sld [smem:$0x3FB9]  }
0x39: {  	_ = 	snop;
	(pc) =	sbr.ind lr, $3  }
0x3a: {  	_ = 	snop  }
0x3b: {  	_ = 	snop  }
0x3c: {  	p2 =	seq.s32 s10, $0x1;
	s10 =	sld [smem:$0x3FB8]  }
0x3d: {  	_ =	shalt  }
0x3e: {  	_ =	shalt  }
0x3f: {  	_ =	shalt  }
0x40: {  	_ =	shalt  }
0x41: {  	_ =	shalt  }
0x42: {  	_ =	shalt  }
0x43: {  	_ =	shalt  }
0x44: {  	_ =	shalt  }
0x45: {  	_ =	shalt  }
0x46: {  	_ =	shalt  }
0x47: {  	_ =	shalt  }
0x48: {  	_ =	shalt  }
0x49: {  	_ =	shalt  }
0x4a: {  	_ =	shalt  }
0x4b: {  	_ =	shalt  }
0x4c: {  	_ =	shalt  }
0x4d: {  	_ =	shalt  }
0x4e: {  	_ =	shalt  }
0x4f: {  	_ =	shalt  }
0x50: {  	_ =	shalt  }
0x51: {  	_ =	shalt  }
0x52: {  	_ =	shalt  }
0x53: {  	_ =	shalt  }
0x54: {  	_ =	shalt  }
0x55: {  	_ =	shalt  }
0x56: {  	_ =	shalt  }
0x57: {  	_ =	shalt  }
0x58: {  	_ =	shalt  }
0x59: {  	_ =	shalt  }
0x5a: {  	_ =	shalt  }
0x5b: {  	_ =	shalt  }
0x5c: {  	_ =	shalt  }
0x5d: {  	_ =	shalt  }
0x5e: {  	_ =	shalt  }
0x5f: {  	_ =	shalt  }
0x60: {  	_ =	shalt  }
0x61: {  	_ =	shalt  }
0x62: {  	_ =	shalt  }
0x63: {  	_ =	shalt  }
0x64: {  	_ =	shalt  }
0x65: {  	_ =	shalt  }
0x66: {  	_ =	shalt  }
0x67: {  	_ =	shalt  }
0x68: {  	_ =	shalt  }
0x69: {  	_ =	shalt  }
0x6a: {  	_ =	shalt  }
0x6b: {  	_ =	shalt  }
0x6c: {  	_ =	shalt  }
0x6d: {  	_ =	shalt  }
0x6e: {  	_ =	shalt  }
0x6f: {  	_ =	shalt  }
0x70: {  	_ =	shalt  }
0x71: {  	_ =	shalt  }
0x72: {  	_ =	shalt  }
0x73: {  	_ =	shalt  }
0x74: {  	_ =	shalt  }
0x75: {  	_ =	shalt  }
0x76: {  	_ =	shalt  }
0x77: {  	_ =	shalt  }
0x78: {  	_ =	shalt  }
0x79: {  	_ =	shalt  }
0x7a: {  	_ =	shalt  }
0x7b: {  	_ =	shalt  }
0x7c: {  	_ =	shalt  }
0x7d: {  	_ =	shalt  }
0x7e: {  	_ =	shalt  }
0x7f: {  	_ =	shalt  }
0x80: {  	_ =	shalt  }
0x81: {  	_ =	shalt  }
0x82: {  	_ =	shalt  }
0x83: {  	_ =	shalt  }
0x84: {  	_ =	shalt  }
0x85: {  	_ =	shalt  }
0x86: {  	_ =	shalt  }
0x87: {  	_ =	shalt  }
.Lfunc_end0:
.L_simem_size_0:
called_computation.1_lowered:
.L_overlay_start_0:
0x88: {  	s2 =	sld [smem:$0x3FD9]  }
0x89: {  	s3 =	sld [smem:$0x3FFE];
	_ =	sdelay $0x1  }
0x8a: {  	s1 =	srdreg.scid  }
0x8b: {  	s0 =	sand.u32 $0x1, s1  }
0x8c: {  	s17 =	sshll.u32 s0, $0xA;
	s2 =	sadd.s32 s3, s2  }
0x8d: {  	s2 =	sadd.s32 s2, s17  }
0x8e: {  	[smem:$0x3FC4] =	sst s2  }
0x8f: {  	_ = 	snop  }
0x90: {  	(tm) =	ssettm $0x1  }
0x91: {  	s18 =	sld [smem:$0x3FFB];
	_ =	sdelay $0x3  }
0x92: {  	_ =	strace s18  }
0x93: {  	s2 =	sld [smem:$0x3FFC];
	_ =	sdelay $0x3  }
0x94: {  	_ =	strace s2  }
0x95: {  	s2 =	sld [smem:$0x3FFD];
	_ =	sdelay $0x3  }
0x96: {  	_ =	strace s2  }
0x97: {  	_ =	strace $0x8FFFFFFF  }
0x98: {  	s19 =	sld [smem:$0x3FDB];
	_ =	sdelay $0x1  }
0x99: {  	s20 =	simm.s32 $_scs_section_size  }
0x9a: {  	s4 =	simm.s32 $_size__tile_overlayer_lowered;
	s5 =	simm.s32 $_tile_overlayer_lowered  }
0x9b: {  	s6 =	simm.s32 $0x1BFF;
	s21 =	sshll.u32 s5, $0x1;
	s3 =	sadd.s32 s20, s19  }
0x9c: {  	s22 =	simm.s32 $0x0;
	s4 =	sshll.u32 s4, $0x1;
	s5 =	sadd.s32 s21, s3  }
0x9d: {  	[timem:s22], [sflag:s6] =	dma.local [hbm:s5], s4  }
0x9e: {  	_ =	swait.ge [sflag:s6], s4  }
0x9f: {  	s4 =	ssub.s32 $0x0, s4;
	[sflag:s6] =	ssyncset.done $0x0  }
0xa0: {  	[sflag:s6] =	ssyncadd.s32 s4;
	_ =	sdelay $0x1  }
0xa1: {  	s23 =	simm.s32 $0x1B8B  }
0xa2: {  	_ =	swait.ge [sflag:s23], $0x1  }
0xa3: {  	[sflag:s23] =	ssyncset.done $0x0  }
0xa4: {  	[sflag:s23] =	ssyncadd.s32 $0xFFFFFFFF  }
0xa5: {  	s4 =	sld [smem:$0x0]  }
0xa6: {  	s5 =	sand.u32 $0xFFFFFFFE, s1  }
0xa7: {  	p0 =	sne.s32 s1, s5  }
0xa8: {  	s5 =	sshll.u32 @p0 s5, $0xE  }
0xa9: {  	s5 =	sadd.s32 @p0 $0x11B8D, s5;
	s6 =	sshll.u32 @p0 s4, $0x11  }
0xaa: {  	s5 =	sor.u32 @p0 s6, s5  }
0xab: {  	[sflag:s5] =	ssyncadd.remote.s32 @p0 $0x1;
	_ =	sdelay $0x1  }
0xac: {  	s5 =	simm.s32 @p0 $0x1B8D  }
0xad: {  	_ =	swait.eq @p0 [sflag:s5], $0x1  }
0xae: {  	[sflag:s5] =	ssyncadd.s32 @p0 $0xFFFFFFFF  }
0xaf: {  	s6 =	sshll.u32 @!p0 s1, $0xE  }
0xb0: {  	s6 =	sor.u32 @!p0 $0x4000, s6;
	s5 =	simm.s32 @!p0 $0x1B8D  }
0xb1: {  	s4 =	sshll.u32 @!p0 s4, $0x11;
	s6 =	sadd.s32 @!p0 $0x11B8D, s6;
	_ =	swait.eq @!p0 [sflag:s5], $0x1  }
0xb2: {  	s4 =	sor.u32 @!p0 s4, s6;
	[sflag:s5] =	ssyncadd.s32 @!p0 $0xFFFFFFFF  }
0xb3: {  	s25 =	simm.s32 $0x1B8E;
	s24 =	sld [smem:$0x3FFE];
	[sflag:s4] =	ssyncadd.remote.s32 @!p0 $0x1  }
0xb4: {  	s26 =	simm.s32 $execute0_lowered;
	[smem:$0x3FD2] =	sst s25  }
0xb5: {  	s5 =	sshll.u32 s26, $0x1;
	_ =	strace $0x80000049;
	[dreg:$0x1] =	wrdreg $0xFFFFFFFF  }
0xb6: {  	s28 =	simm.s32 $_size_execute0_lowered;
	s3 =	sadd.s32 s3, s5;
	[dreg:$0x0] =	wrdreg $0x0  }
0xb7: {  	s5 =	sshll.u32 s28, $0x1;
	[dreg:$0x2] =	wrdreg s3  }
0xb8: {  	[dreg:$0x3] =	wrdreg s5  }
0xb9: {  	[dreg:$0x4] =	wrdreg $0xC0  }
0xba: {  	_ =	task [dreg:s22], $0x5FFFF  }
0xbb: {  	[dreg:$0x1] =	wrdreg $0xFFFFFFFF  }
0xbc: {  	[dreg:$0x0] =	wrdreg $0x60  }
0xbd: {  	[dreg:$0x2] =	wrdreg s24  }
0xbe: {  	[dreg:$0x3] =	wrdreg $0xA  }
0xbf: {  	_ =	task.clear_ibuf [dreg:s22], $0x4FFFF;
	_ =	strace $0x90000049  }
0xc0: {  	s29 =	simm.s32 $0xA;
	_ =	strace $0x8000004B  }
0xc1: {  	_ =	swait.ge [sflag:s29], $0x1  }
0xc2: {  	[sflag:s29] =	ssyncadd.s32 $0xFFFFFFFF  }
0xc3: {  	_ =	strace $0x9000004B  }
0xc4: {  	_ =	sfence  }
0xc5: {  	s30 =	sld [smem:$0x0];
	_ =	sdelay $0x2  }
0xc6: {  	s31 =	sshll.u32 s1, $0xD;
	s1 =	sshrl.u32 s1, $0x2  }
0xc7: {  	s4 =	sand.u32 $0x4000, s31;
	s1 =	sadd.s32 s1, s30  }
0xc8: {  	s0 =	sor.u32 s4, s0;
	s1 =	sshll.u32 s1, $0x11  }
0xc9: {  	s0 =	sor.u32 s1, s0  }
0xca: {  	s0 =	sadd.s32 $0x8F2B, s0  }
0xcb: {  	[sflag:s0] =	ssyncadd.remote.s32 $0x1  }
0xcc: {  	_ =	sfence.sel $0xFFFF  }
0xcd: {  	[dreg:$0x0] =	wrdreg $0xFFFFFFFF;
	(pc) =	sbr.abs _section_cstart, $3  }
0xce: {  	[dreg:$0x1] =	wrdreg $0xFFFFFFFF  }
0xcf: {  	_ =	task.clear_ibuf [dreg:s22], $0x2FFFF;
	_ =	strace $0x9FFFFFFF  }
0xd0: {  	(tm) =	ssettm $0x7FFFFFFF  }
0xd1: {  	_ =	shalt  }
tec
execute0_lowered:
.L_overlay_start_1:
0x0: {  	(tag) =	ssettag $0x1  }
0x1: {  	s4 =	rddreg [dreg:$0x0]  }
0x2: {  	s0 =	rddreg [dreg:$0x1]  }
0x3: {  	s1 =	stileid.u32;
	s3 =	srdreg.scid;
	s2 =	simm.s32 $0x0  }
0x4: {  	s11 =	simm.s32 $0x9800;
	s12 =	simm.s32 $0xD800;
	s13 =	simm.s32 $0x11800  }
0x5: {  	s14 =	simm.s32 $0x15800;
	s15 =	simm.s32 $0x1;
	s16 =	simm.s32 $0x2  }
0x6: {  	s17 =	simm.s32 $0x0;
	s5 =	sand.u32 $0x1, s3;
	s29 =	sshll.u32 s1, $0x1  }
0x7: {  	[smem:$0x7FF] =	sst s2;
	s7 =	smul.u32 $0x30000, s1;
	s3 =	sor.u32 s5, s29  }
0x8: {  	_ =	strace $0x8000004A;
	s8 =	ssub.s32 $0x2, s5;
	s10 =	smul.u32 $0x18000, s5  }
0x9: {  	s6 =	smul.u32 $0x1800, s3;
	s9 =	sshrl.u32 s8, $0x1;
	s7 =	sadd.s32 s7, s4  }
0xa: {  	s3 =	sadd.s32 $0xDC00, s4;
	s30 =	ssub.s32 s8, s9;
	s31 =	sadd.s32 s10, s7  }
0xb: {  	s7 =	simm.s32 $0x3;
	s8 =	simm.s32 $0x80;
	s6 =	sshrl.u32 s6, $0x3  }
0xc: {  	s9 =	simm.s32 $0x1800;
	s10 =	simm.s32 $0x5800;
	s4 =	sadd.s32 s4, s6  }
0xd: {  	s5 =	smax.u32 s30, $0x1;
	s6 =	sadd.s32 $0x516E00, s31;
	s4 =	sadd.s32 $0x7C00, s4  }
.LBB2_1:
0xe: {  	[tilespmem:s2], [sflag:$0x3] =	stream.linear.gather [hbm4b:s4+s2], $0x1800, $0x38;
	[tilespmem:$0x19800] =	vst v63  }
0xf: {  	_ =	swait.ge [sflag:s7], $0x1800  }
0x10: {  	[sflag:s7] =	ssyncset.done $0x0  }
0x11: {  	s18 =	simm.s32 $0x0;
	[sflag:s7] =	ssyncadd.s32 $0xFFFFE800  }
0x12: {  	[tilespmem:s9], [sflag:$0x1] =	stream.indirect.gather [hbm4b:s3+s8], $0x80, s18, s8, $0xb8;
	[tilespmem:$0x19800] =	vst v63  }
0x13: {  	s21 =	simm.s32 $0x80  }
0x14: {  	[tilespmem:s10], [sflag:$0x1] =	stream.indirect.gather [hbm4b:s3+s8], $0x80, s21, s8, $0xb8;
	[tilespmem:$0x19800] =	vst v63  }
0x15: {  	s22 =	simm.s32 $0x100  }
0x16: {  	[tilespmem:s11], [sflag:$0x1] =	stream.indirect.gather [hbm4b:s3+s8], $0x80, s22, s8, $0xb8;
	[tilespmem:$0x19800] =	vst v63  }
0x17: {  	s23 =	simm.s32 $0x180  }
0x18: {  	[tilespmem:s12], [sflag:$0x1] =	stream.indirect.gather [hbm4b:s3+s8], $0x80, s23, s8, $0xb8;
	[tilespmem:$0x19800] =	vst v63  }
0x19: {  	s24 =	simm.s32 $0x200  }
0x1a: {  	[tilespmem:s13], [sflag:$0x1] =	stream.indirect.gather [hbm4b:s3+s8], $0x80, s24, s8, $0xb8;
	[tilespmem:$0x19800] =	vst v63  }
0x1b: {  	s25 =	simm.s32 $0x280  }
0x1c: {  	[tilespmem:s14], [sflag:$0x1] =	stream.indirect.gather [hbm4b:s3+s8], $0x80, s25, s8, $0xb8;
	[tilespmem:$0x19800] =	vst v63  }
0x1d: {  	_ =	swait.ge [sflag:s15], $0x4000  }
0x1e: {  	[sflag:s15] =	ssyncset.done $0x0  }
0x1f: {  	s26 =	sadd.s32 $0xFFFFD800, s6;
	[sflag:s15] =	ssyncadd.s32 $0xFFFFC000  }
0x20: {  	[hbm4b:s26+s2] =	stream.linear.scatter [tilespmem:s9], [sflag:$0x2], $0x4000, $0x38;
	[tilespmem:$0x19800] =	vst v63  }
0x21: {  	_ =	swait.ge [sflag:s15], $0x4000  }
0x22: {  	[sflag:s15] =	ssyncset.done $0x0  }
0x23: {  	s28 =	sadd.s32 $0xFFFFE000, s6;
	[sflag:s15] =	ssyncadd.s32 $0xFFFFC000  }
0x24: {  	[hbm4b:s28+s2] =	stream.linear.scatter [tilespmem:s10], [sflag:$0x2], $0x4000, $0x38;
	[tilespmem:$0x19800] =	vst v63  }
0x25: {  	_ =	swait.ge [sflag:s15], $0x4000  }
0x26: {  	[sflag:s15] =	ssyncset.done $0x0  }
0x27: {  	s29 =	sadd.s32 $0xFFFFE800, s6;
	[sflag:s15] =	ssyncadd.s32 $0xFFFFC000  }
0x28: {  	[hbm4b:s29+s2] =	stream.linear.scatter [tilespmem:s11], [sflag:$0x2], $0x4000, $0x38;
	[tilespmem:$0x19800] =	vst v63  }
0x29: {  	_ =	swait.ge [sflag:s15], $0x4000  }
0x2a: {  	[sflag:s15] =	ssyncset.done $0x0  }
0x2b: {  	s30 =	sadd.s32 $0xFFFFF000, s6;
	[sflag:s15] =	ssyncadd.s32 $0xFFFFC000  }
0x2c: {  	[hbm4b:s30+s2] =	stream.linear.scatter [tilespmem:s12], [sflag:$0x2], $0x4000, $0x38;
	[tilespmem:$0x19800] =	vst v63  }
0x2d: {  	_ =	swait.ge [sflag:s15], $0x4000  }
0x2e: {  	[sflag:s15] =	ssyncset.done $0x0  }
0x2f: {  	s31 =	sadd.s32 $0xFFFFF800, s6;
	[sflag:s15] =	ssyncadd.s32 $0xFFFFC000  }
0x30: {  	[hbm4b:s31+s2] =	stream.linear.scatter [tilespmem:s13], [sflag:$0x2], $0x4000, $0x38;
	[tilespmem:$0x19800] =	vst v63  }
0x31: {  	_ =	swait.ge [sflag:s15], $0x4000  }
0x32: {  	[sflag:s15] =	ssyncset.done $0x0  }
0x33: {  	[sflag:s15] =	ssyncadd.s32 $0xFFFFC000  }
0x34: {  	[hbm4b:s6+s2] =	stream.linear.scatter [tilespmem:s14], [sflag:$0x2], $0x4000, $0x38;
	[tilespmem:$0x19800] =	vst v63  }
0x35: {  	_ =	swait.ge [sflag:s16], $0x4000  }
0x36: {  	[sflag:s16] =	ssyncset.done $0x0  }
0x37: {  	[sflag:s16] =	ssyncadd.s32 $0xFFFFC000  }
0x38: {  	_ =	swait.ge [sflag:s16], $0x4000  }
0x39: {  	[sflag:s16] =	ssyncset.done $0x0  }
0x3a: {  	[sflag:s16] =	ssyncadd.s32 $0xFFFFC000  }
0x3b: {  	_ =	swait.ge [sflag:s16], $0x4000  }
0x3c: {  	[sflag:s16] =	ssyncset.done $0x0  }
0x3d: {  	[sflag:s16] =	ssyncadd.s32 $0xFFFFC000  }
0x3e: {  	_ =	swait.ge [sflag:s16], $0x4000  }
0x3f: {  	[sflag:s16] =	ssyncset.done $0x0  }
0x40: {  	[sflag:s16] =	ssyncadd.s32 $0xFFFFC000  }
0x41: {  	_ =	swait.ge [sflag:s16], $0x4000  }
0x42: {  	[sflag:s16] =	ssyncset.done $0x0  }
0x43: {  	[sflag:s16] =	ssyncadd.s32 $0xFFFFC000  }
0x44: {  	s19 =	simm.s32 $0xC00;
	_ =	swait.ge [sflag:s16], $0x4000  }
0x45: {  	s18 =	sadd.s32 $0x3000, s6;
	s21 =	simm.s32 $0x1800;
	[sflag:s16] =	ssyncset.done $0x0  }
.LBB2_2:
0x46: {  	s22 =	sshra.s32 s19, $0x2  }
0x47: {  	[sflag:s16] =	ssyncadd.s32 $0xFFFFC000;
	s19 =	smov.u32 s21;
	s20 =	sadd.s32 $0xC00, s21  }
0x48: {  	[tilespmem:s9], [sflag:$0x1] =	stream.indirect.gather [hbm4b:s3+s8], $0x80, s22, s8, $0xb8;
	[tilespmem:$0x19800] =	vst v63  }
0x49: {  	p0 =	sne.s32 s21, $0x5400;
	s21 =	sadd.s32 $0x80, s22  }
0x4a: {  	[tilespmem:s10], [sflag:$0x1] =	stream.indirect.gather [hbm4b:s3+s8], $0x80, s21, s8, $0xb8;
	[tilespmem:$0x19800] =	vst v63  }
0x4b: {  	s21 =	sadd.s32 $0x100, s22  }
0x4c: {  	[tilespmem:s11], [sflag:$0x1] =	stream.indirect.gather [hbm4b:s3+s8], $0x80, s21, s8, $0xb8;
	[tilespmem:$0x19800] =	vst v63  }
0x4d: {  	s21 =	sadd.s32 $0x180, s22  }
0x4e: {  	[tilespmem:s12], [sflag:$0x1] =	stream.indirect.gather [hbm4b:s3+s8], $0x80, s21, s8, $0xb8;
	[tilespmem:$0x19800] =	vst v63  }
0x4f: {  	s21 =	sadd.s32 $0x200, s22  }
0x50: {  	[tilespmem:s13], [sflag:$0x1] =	stream.indirect.gather [hbm4b:s3+s8], $0x80, s21, s8, $0xb8;
	[tilespmem:$0x19800] =	vst v63  }
0x51: {  	s21 =	sadd.s32 $0x280, s22  }
0x52: {  	[tilespmem:s14], [sflag:$0x1] =	stream.indirect.gather [hbm4b:s3+s8], $0x80, s21, s8, $0xb8;
	[tilespmem:$0x19800] =	vst v63  }
0x53: {  	_ =	swait.ge [sflag:s15], $0x4000  }
0x54: {  	[sflag:s15] =	ssyncset.done $0x0  }
0x55: {  	s21 =	sadd.s32 $0xFFFFD800, s18;
	[sflag:s15] =	ssyncadd.s32 $0xFFFFC000  }
0x56: {  	[hbm4b:s21+s2] =	stream.linear.scatter [tilespmem:s9], [sflag:$0x2], $0x4000, $0x38;
	[tilespmem:$0x19800] =	vst v63  }
0x57: {  	_ =	swait.ge [sflag:s15], $0x4000  }
0x58: {  	[sflag:s15] =	ssyncset.done $0x0  }
0x59: {  	s21 =	sadd.s32 $0xFFFFE000, s18;
	[sflag:s15] =	ssyncadd.s32 $0xFFFFC000  }
0x5a: {  	[hbm4b:s21+s2] =	stream.linear.scatter [tilespmem:s10], [sflag:$0x2], $0x4000, $0x38;
	[tilespmem:$0x19800] =	vst v63  }
0x5b: {  	_ =	swait.ge [sflag:s15], $0x4000  }
0x5c: {  	[sflag:s15] =	ssyncset.done $0x0  }
0x5d: {  	s21 =	sadd.s32 $0xFFFFE800, s18;
	[sflag:s15] =	ssyncadd.s32 $0xFFFFC000  }
0x5e: {  	[hbm4b:s21+s2] =	stream.linear.scatter [tilespmem:s11], [sflag:$0x2], $0x4000, $0x38;
	[tilespmem:$0x19800] =	vst v63  }
0x5f: {  	_ =	swait.ge [sflag:s15], $0x4000  }
0x60: {  	[sflag:s15] =	ssyncset.done $0x0  }
0x61: {  	s21 =	sadd.s32 $0xFFFFF000, s18;
	[sflag:s15] =	ssyncadd.s32 $0xFFFFC000  }
0x62: {  	[hbm4b:s21+s2] =	stream.linear.scatter [tilespmem:s12], [sflag:$0x2], $0x4000, $0x38;
	[tilespmem:$0x19800] =	vst v63  }
0x63: {  	_ =	swait.ge [sflag:s15], $0x4000  }
0x64: {  	[sflag:s15] =	ssyncset.done $0x0  }
0x65: {  	s21 =	sadd.s32 $0xFFFFF800, s18;
	[sflag:s15] =	ssyncadd.s32 $0xFFFFC000  }
0x66: {  	[hbm4b:s21+s2] =	stream.linear.scatter [tilespmem:s13], [sflag:$0x2], $0x4000, $0x38;
	[tilespmem:$0x19800] =	vst v63  }
0x67: {  	_ =	swait.ge [sflag:s15], $0x4000  }
0x68: {  	[sflag:s15] =	ssyncset.done $0x0  }
0x69: {  	[sflag:s15] =	ssyncadd.s32 $0xFFFFC000  }
0x6a: {  	[hbm4b:s18+s2] =	stream.linear.scatter [tilespmem:s14], [sflag:$0x2], $0x4000, $0x38;
	[tilespmem:$0x19800] =	vst v63  }
0x6b: {  	_ =	swait.ge [sflag:s16], $0x4000  }
0x6c: {  	[sflag:s16] =	ssyncset.done $0x0  }
0x6d: {  	[sflag:s16] =	ssyncadd.s32 $0xFFFFC000  }
0x6e: {  	_ =	swait.ge [sflag:s16], $0x4000  }
0x6f: {  	[sflag:s16] =	ssyncset.done $0x0  }
0x70: {  	[sflag:s16] =	ssyncadd.s32 $0xFFFFC000  }
0x71: {  	_ =	swait.ge [sflag:s16], $0x4000  }
0x72: {  	[sflag:s16] =	ssyncset.done $0x0  }
0x73: {  	[sflag:s16] =	ssyncadd.s32 $0xFFFFC000  }
0x74: {  	_ =	swait.ge [sflag:s16], $0x4000  }
0x75: {  	[sflag:s16] =	ssyncset.done $0x0  }
0x76: {  	[sflag:s16] =	ssyncadd.s32 $0xFFFFC000  }
.Ltmp0:
0x77: {  	_ =	swait.ge [sflag:s16], $0x4000;
	(pc) =	sbr.rel @p0 .LBB2_2-.Ltmp0, $4  }
0x78: {  	[sflag:s16] =	ssyncset.done $0x0  }
0x79: {  	[sflag:s16] =	ssyncadd.s32 $0xFFFFC000  }
0x7a: {  	_ =	swait.ge [sflag:s16], $0x4000  }
0x7b: {  	s21 =	smov.u32 s20;
	s18 =	sadd.s32 $0x3000, s18;
	[sflag:s16] =	ssyncset.done $0x0  }
0x7c: {  	s19 =	sshra.s32 s19, $0x2;
	[sflag:s16] =	ssyncadd.s32 $0xFFFFC000  }
0x7d: {  	[tilespmem:s9], [sflag:$0x1] =	stream.indirect.gather [hbm4b:s3+s8], $0x80, s19, s8, $0xb8;
	[tilespmem:$0x19800] =	vst v63  }
0x7e: {  	s20 =	sadd.s32 $0x80, s19  }
0x7f: {  	[tilespmem:s10], [sflag:$0x1] =	stream.indirect.gather [hbm4b:s3+s8], $0x80, s20, s8, $0xb8;
	[tilespmem:$0x19800] =	vst v63  }
0x80: {  	s23 =	sadd.s32 $0x100, s19  }
0x81: {  	[tilespmem:s11], [sflag:$0x1] =	stream.indirect.gather [hbm4b:s3+s8], $0x80, s23, s8, $0xb8;
	[tilespmem:$0x19800] =	vst v63  }
0x82: {  	s24 =	sadd.s32 $0x180, s19  }
0x83: {  	[tilespmem:s12], [sflag:$0x1] =	stream.indirect.gather [hbm4b:s3+s8], $0x80, s24, s8, $0xb8;
	[tilespmem:$0x19800] =	vst v63  }
0x84: {  	s25 =	sadd.s32 $0x200, s19  }
0x85: {  	[tilespmem:s13], [sflag:$0x1] =	stream.indirect.gather [hbm4b:s3+s8], $0x80, s25, s8, $0xb8;
	[tilespmem:$0x19800] =	vst v63  }
0x86: {  	s19 =	sadd.s32 $0x280, s19  }
0x87: {  	[tilespmem:s14], [sflag:$0x1] =	stream.indirect.gather [hbm4b:s3+s8], $0x80, s19, s8, $0xb8;
	[tilespmem:$0x19800] =	vst v63  }
0x88: {  	_ =	swait.ge [sflag:s15], $0x4000  }
0x89: {  	[sflag:s15] =	ssyncset.done $0x0  }
0x8a: {  	s26 =	sadd.s32 $0xFFFFD800, s18;
	[sflag:s15] =	ssyncadd.s32 $0xFFFFC000  }
0x8b: {  	[hbm4b:s26+s2] =	stream.linear.scatter [tilespmem:s9], [sflag:$0x2], $0x4000, $0x38;
	[tilespmem:$0x19800] =	vst v63  }
0x8c: {  	_ =	swait.ge [sflag:s15], $0x4000  }
0x8d: {  	[sflag:s15] =	ssyncset.done $0x0  }
0x8e: {  	s28 =	sadd.s32 $0xFFFFE000, s18;
	[sflag:s15] =	ssyncadd.s32 $0xFFFFC000  }
0x8f: {  	[hbm4b:s28+s2] =	stream.linear.scatter [tilespmem:s10], [sflag:$0x2], $0x4000, $0x38;
	[tilespmem:$0x19800] =	vst v63  }
0x90: {  	_ =	swait.ge [sflag:s15], $0x4000  }
0x91: {  	[sflag:s15] =	ssyncset.done $0x0  }
0x92: {  	s29 =	sadd.s32 $0xFFFFE800, s18;
	[sflag:s15] =	ssyncadd.s32 $0xFFFFC000  }
0x93: {  	[hbm4b:s29+s2] =	stream.linear.scatter [tilespmem:s11], [sflag:$0x2], $0x4000, $0x38;
	[tilespmem:$0x19800] =	vst v63  }
0x94: {  	_ =	swait.ge [sflag:s15], $0x4000  }
0x95: {  	[sflag:s15] =	ssyncset.done $0x0  }
0x96: {  	s30 =	sadd.s32 $0xFFFFF000, s18;
	[sflag:s15] =	ssyncadd.s32 $0xFFFFC000  }
0x97: {  	[hbm4b:s30+s2] =	stream.linear.scatter [tilespmem:s12], [sflag:$0x2], $0x4000, $0x38;
	[tilespmem:$0x19800] =	vst v63  }
0x98: {  	_ =	swait.ge [sflag:s15], $0x4000  }
0x99: {  	[sflag:s15] =	ssyncset.done $0x0  }
0x9a: {  	s31 =	sadd.s32 $0xFFFFF800, s18;
	[sflag:s15] =	ssyncadd.s32 $0xFFFFC000  }
0x9b: {  	[hbm4b:s31+s2] =	stream.linear.scatter [tilespmem:s13], [sflag:$0x2], $0x4000, $0x38;
	[tilespmem:$0x19800] =	vst v63  }
0x9c: {  	_ =	swait.ge [sflag:s15], $0x4000  }
0x9d: {  	[sflag:s15] =	ssyncset.done $0x0  }
0x9e: {  	[sflag:s15] =	ssyncadd.s32 $0xFFFFC000  }
0x9f: {  	[hbm4b:s18+s2] =	stream.linear.scatter [tilespmem:s14], [sflag:$0x2], $0x4000, $0x38;
	[tilespmem:$0x19800] =	vst v63  }
0xa0: {  	_ =	swait.ge [sflag:s16], $0x4000  }
0xa1: {  	[sflag:s16] =	ssyncset.done $0x0  }
0xa2: {  	[sflag:s16] =	ssyncadd.s32 $0xFFFFC000  }
0xa3: {  	_ =	swait.ge [sflag:s16], $0x4000  }
0xa4: {  	[sflag:s16] =	ssyncset.done $0x0  }
0xa5: {  	[sflag:s16] =	ssyncadd.s32 $0xFFFFC000  }
0xa6: {  	_ =	swait.ge [sflag:s16], $0x4000  }
0xa7: {  	[sflag:s16] =	ssyncset.done $0x0  }
0xa8: {  	[sflag:s16] =	ssyncadd.s32 $0xFFFFC000  }
0xa9: {  	_ =	swait.ge [sflag:s16], $0x4000  }
0xaa: {  	[sflag:s16] =	ssyncset.done $0x0  }
0xab: {  	s17 =	sadd.s32 $0x1, s17;
	[sflag:s16] =	ssyncadd.s32 $0xFFFFC000  }
0xac: {  	p0 =	sne.s32 s17, s5;
	_ =	swait.ge [sflag:s16], $0x4000  }
.Ltmp1:
0xad: {  	[sflag:s16] =	ssyncset.done $0x0;
	(pc) =	sbr.rel @p0 .LBB2_1-.Ltmp1, $4  }
0xae: {  	[sflag:s16] =	ssyncadd.s32 $0xFFFFC000  }
0xaf: {  	_ =	swait.ge [sflag:s16], $0x4000  }
0xb0: {  	[sflag:s16] =	ssyncset.done $0x0  }
0xb1: {  	[sflag:s16] =	ssyncadd.s32 $0xFFFFC000  }
0xb2: {  	_ =	sfence.sel $0x180000  }
0xb3: {  	[bflag:$0x0] =	sbarrier.arrive $0xFFFF  }
0xb4: {  	p0 =	sne.s32 s1, $0x0;
	_ =	strace $0x9000004A  }
0xb5: {  	s0 =	sadd.s32 @!p0 $0x100000, s0;
	[bflag:$0x2] =	sbarrier.arrive $0xFFFF  }
0xb6: {  	[sflag:s0] =	ssyncadd.tile.s32 @!p0 $0x1;
	_ =	shalt  }
.Lfunc_end2:
_tile_overlayer_lowered:
.L_overlay_start_2:
0xb7: {  	(tag) =	ssettag $0x2  }
0xb8: {  	s0 =	rddreg [dreg:$0x0];
	s2 =	stileid.u32  }
0xb9: {  	s1 =	rddreg [dreg:$0x1];
	p0 =	sne.s32 s2, $0x0  }
0xba: {  	s3 =	rddreg [dreg:$0x2];
	[bflag:$0x3] =	sbarrier.arrive $0xFFFF;
	s2 =	simm.s32 @!p0 $0x1C03  }
0xbb: {  	[timem:s3], [sflag:s2] =	dma.local @!p0 [hbm:s0], s1  }
0xbc: {  	s0 =	simm.s32 @!p0 $0x3  }
0xbd: {  	_ =	swait.ge @!p0 [sflag:s0], s1  }
0xbe: {  	s1 =	ssub.s32 @!p0 $0x0, s1;
	[sflag:s0] =	ssyncset.done @!p0 $0x0  }
0xbf: {  	[sflag:s0] =	ssyncadd.s32 @!p0 s1  }
0xc0: {  	[bflag:$0x3] =	sbarrier.arrive $0xFFFF  }
0xc1: {  	_ =	shalt  }

</sc_bundles>
